<compile_context>
chip_gen: v7x
topology: tpu7x:2x2x1
jax: 0.10.2.dev20260603
libtpu: 0.0.44.dev20260713+nightly
codegen_flags: <defaults>
</compile_context>

<pallas_src>
import functools

import jax
import jax.numpy as jnp
from jax import lax
from jax.experimental import pallas as pl
from jax.experimental.pallas import tpu as pltpu
from jax.experimental.pallas import tpu_sc as plsc

_BINS = 64
_EPS = 1e-10
_ALPHA = 0.3
_CE_RANGES = ((1, 8), (8, 24), (24, 31), (31, 45), (45, 51), (51, 53), (53, 55), (58, 99))
_MSE_COLS = (0, 55, 56, 57)
_NFEAT = 10
_G = 2

_B = 16384
_NS = 16
_CHUNK = _B // _NS
_HWORDS = 2 * _NFEAT * _BINS
_RED = _HWORDS // _NS
_MMW = 2 * _NFEAT * 16



def _sc_hist_body(feats_hbm, out_hbm,
                  chunk_v, sex_v, hist_v, mm_v, mmall_v, red_v,
                  lo_tab, scl_tab, mm_sh, hist_sh, dma_sem):
    s = lax.axis_index("s")

    copies = [
        pltpu.async_copy(
            feats_hbm.at[pl.ds(f * _B + s * _CHUNK, _CHUNK)],
            chunk_v.at[pl.ds(f * _CHUNK, _CHUNK)], dma_sem)
        for f in range(_NFEAT)
    ]
    copies.append(pltpu.async_copy(
        feats_hbm.at[pl.ds((_NFEAT + 1) * _B + s * _CHUNK, _CHUNK)],
        sex_v, dma_sem))

    zero = jnp.zeros((16,), jnp.float32)

    @plsc.parallel_loop(0, _HWORDS // 16, unroll=4)
    def _zero(i):
        hist_v[pl.ds(i * 16, 16)] = zero

    for cp in copies:
        cp.wait()

    pinf = jnp.full((16,), jnp.inf, jnp.float32)
    ninf = jnp.full((16,), -jnp.inf, jnp.float32)

    def _mm_f(f, carry):
        @plsc.parallel_loop(0, _CHUNK // 16, unroll=8, carry=(pinf, ninf))
        def _mm(i, c):
            mn, mx = c
            v = chunk_v[pl.ds(f * _CHUNK + i * 16, 16)]
            return jnp.minimum(mn, v), jnp.maximum(mx, v)
        mn, mx = _mm
        mm_v[pl.ds(f * 16, 16)] = mn
        mm_v[pl.ds(_NFEAT * 16 + f * 16, 16)] = mx
        return carry

    lax.fori_loop(0, _NFEAT, _mm_f, 0)

    pltpu.sync_copy(mm_v, mm_sh.at[pl.ds(s * _MMW, _MMW)])
    plsc.subcore_barrier()
    pltpu.sync_copy(mm_sh, mmall_v)

    lane_i = jax.lax.broadcasted_iota(jnp.int32, (16,), 0)

    def _lane_reduce(v, op):
        for k in (1, 2, 4, 8):
            mm_v[pl.ds(0, 16)] = v
            v = op(v, plsc.load_gather(mm_v, [lane_i ^ k]))
        return v

    def _red_f(f, carry):
        def _acc(w, c):
            mn, mx = c
            return (jnp.minimum(mn, mmall_v[pl.ds(w * _MMW + f * 16, 16)]),
                    jnp.maximum(mx, mmall_v[
                        pl.ds(w * _MMW + _NFEAT * 16 + f * 16, 16)]))
        mn, mx = lax.fori_loop(0, _NS, _acc, (pinf, ninf))
        lo = _lane_reduce(mn, jnp.minimum)
        hi = _lane_reduce(mx, jnp.maximum)
        lo_tab[pl.ds(f * 16, 16)] = lo
        scl_tab[pl.ds(f * 16, 16)] = (
            jnp.float32(_BINS) / jnp.maximum(hi - lo, _EPS))
        return carry

    lax.fori_loop(0, _NFEAT, _red_f, 0)

    def _bin_f(f, carry):
        lo = lo_tab[pl.ds(f * 16, 16)]
        scl = scl_tab[pl.ds(f * 16, 16)]
        base = f * _BINS

        @plsc.parallel_loop(0, _CHUNK // 16, unroll=8)
        def _bin(v):
            off = v * 16
            x = chunk_v[pl.ds(f * _CHUNK + off, 16)]
            sx = sex_v[pl.ds(off, 16)]
            idx = ((x - lo) * scl).astype(jnp.int32)
            idx = jnp.minimum(idx, _BINS - 1) + base
            plsc.addupdate_scatter(hist_v, [idx], 1.0 + sx * jnp.float32(2.0 ** -11))
        return carry

    lax.fori_loop(0, _NFEAT, _bin_f, 0)

    @plsc.parallel_loop(0, _NFEAT * _BINS // 16, unroll=4)
    def _unpack(j):
        v = hist_v[pl.ds(j * 16, 16)]
        tot = v.astype(jnp.int32).astype(jnp.float32)
        hist_v[pl.ds(j * 16, 16)] = tot
        hist_v[pl.ds(_NFEAT * _BINS + j * 16, 16)] = (v - tot) * jnp.float32(2.0 ** 11)

    pltpu.sync_copy(hist_v, hist_sh.at[pl.ds(s * _HWORDS, _HWORDS)])
    plsc.subcore_barrier()
    drains = [
        pltpu.async_copy(hist_sh.at[pl.ds(w * _HWORDS + s * _RED, _RED)],
                         red_v.at[pl.ds(w * _RED, _RED)], dma_sem)
        for w in range(_NS)
    ]
    for cp in drains:
        cp.wait()
    for j in range(_RED // 16):
        acc = red_v[pl.ds(j * 16, 16)]
        for w in range(1, _NS):
            acc = acc + red_v[pl.ds(w * _RED + j * 16, 16)]
        hist_v[pl.ds(j * 16, 16)] = acc
    pltpu.sync_copy(hist_v.at[pl.ds(0, _RED)],
                    out_hbm.at[pl.ds(s * _RED, _RED)])


def _sc_hist(feats_flat):
    mesh = plsc.VectorSubcoreMesh(
        core_axis_name="c", subcore_axis_name="s", num_cores=1)
    fn = functools.partial(
        pl.kernel,
        mesh=mesh,
        compiler_params=pltpu.CompilerParams(needs_layout_passes=False),
        out_type=jax.ShapeDtypeStruct((_HWORDS,), jnp.float32),
        scratch_types=[
            pltpu.VMEM((_NFEAT * _CHUNK,), jnp.float32),
            pltpu.VMEM((_CHUNK,), jnp.float32),
            pltpu.VMEM((_HWORDS,), jnp.float32),
            pltpu.VMEM((_MMW,), jnp.float32),
            pltpu.VMEM((_NS * _MMW,), jnp.float32),
            pltpu.VMEM((_NS * _RED,), jnp.float32),
            pltpu.VMEM((_NFEAT * 16,), jnp.float32),
            pltpu.VMEM((_NFEAT * 16,), jnp.float32),
            pltpu.VMEM_SHARED((_NS * _MMW,), jnp.float32),
            pltpu.VMEM_SHARED((_NS * _HWORDS,), jnp.float32),
            pltpu.SemaphoreType.DMA,
        ],
    )(_sc_hist_body)
    return fn(feats_flat)



def _make_masks():
    row = jax.lax.broadcasted_iota(jnp.int32, (99, 1), 0)
    mse_mask = jnp.zeros((99, 1), jnp.float32)
    for c in _MSE_COLS:
        mse_mask = mse_mask + (row == c).astype(jnp.float32)
    ce_mask = 1.0 - mse_mask
    rng = jax.lax.broadcasted_iota(jnp.int32, (8, 99), 0)
    chan = jax.lax.broadcasted_iota(jnp.int32, (8, 99), 1)
    sel = jnp.zeros((8, 99), jnp.float32)
    for r, (a, b) in enumerate(_CE_RANGES):
        sel = sel + ((rng == r) & (chan >= a) & (chan < b)).astype(jnp.float32)
    return mse_mask, ce_mask, sel


def _dense_body(dec_ref, true_ref, out_ref, acc_ref):
    g = pl.program_id(0)
    n_g = pl.num_programs(0)

    @pl.when(g == 0)
    def _init():
        acc_ref[0] = 0.0
        acc_ref[1] = 0.0

    dec = dec_ref[...]
    tru = true_ref[...]

    mse_mask, ce_mask, sel = _make_masks()
    diff = dec - tru
    acc_ref[0] = acc_ref[0] + jnp.sum(diff * diff * mse_mask)

    expd = jnp.exp(dec)
    rng_sums = jnp.dot(sel, expd, preferred_element_type=jnp.float32)
    lse_sum = jnp.sum(jnp.log(rng_sums))
    tgt_sum = jnp.sum(tru * dec * ce_mask)
    acc_ref[1] = acc_ref[1] + (lse_sum - tgt_sum)

    @pl.when(g == n_g - 1)
    def _fin():
        lane = jax.lax.broadcasted_iota(jnp.int32, (1, 128), 1)
        inv_b = jnp.float32(1.0 / _B)
        vals = jnp.where(lane == 0, acc_ref[0] * inv_b, acc_ref[1] * inv_b)
        out_ref[...] = vals


def _dense(dec_t, tru_t):
    C = _B // _G
    return pl.pallas_call(
        _dense_body,
        grid=(_G,),
        in_specs=[
            pl.BlockSpec((99, C), lambda g: (0, g)),
            pl.BlockSpec((99, C), lambda g: (0, g)),
        ],
        out_specs=pl.BlockSpec((1, 128), lambda g: (0, 0)),
        out_shape=jax.ShapeDtypeStruct((1, 128), jnp.float32),
        scratch_shapes=[pltpu.SMEM((4,), jnp.float32)],
    )(dec_t, tru_t)



def _combine_body(part_ref, hist_ref, multi_ref, items_ref):
    h = hist_ref[...]
    tot = h[0 : _NFEAT * _BINS].reshape(1, _NFEAT * _BINS)
    fem = h[_NFEAT * _BINS :].reshape(1, _NFEAT * _BINS)
    n_f = jnp.sum(fem[0:1, 0:_BINS])
    n_m = jnp.float32(_B) - n_f
    p = (tot - fem) / n_m
    q = fem / n_f
    kld = jnp.sum(p * jnp.log((p + _EPS) / (q + _EPS)))

    mse = part_ref[0, 0]
    ce = part_ref[0, 1]
    multi = (1.0 - _ALPHA) * (mse + ce) + _ALPHA * kld
    multi_ref[...] = jnp.full((1, 1), 1.0, jnp.float32) * multi
    lane = jax.lax.broadcasted_iota(jnp.int32, (1, 3), 1)
    items_ref[...] = jnp.where(lane == 0, mse,
                               jnp.where(lane == 1, ce, _ALPHA * kld))


def _combine(part, hist):
    return pl.pallas_call(
        _combine_body,
        out_shape=[
            jax.ShapeDtypeStruct((1, 1), jnp.float32),
            jax.ShapeDtypeStruct((1, 3), jnp.float32),
        ],
    )(part, hist)


def kernel(data_encoded, data_decoded, data_true, label_true, batch_size):
    del batch_size
    feats_flat = jnp.concatenate(
        [data_encoded.T, label_true.T]).reshape(-1)

    hist = _sc_hist(feats_flat)
    dec_t = pltpu.with_memory_space_constraint(
        data_decoded.T, pltpu.MemorySpace.HBM)
    tru_t = pltpu.with_memory_space_constraint(
        data_true.T, pltpu.MemorySpace.HBM)
    part = _dense(dec_t, tru_t)

    multi, items = _combine(part, hist)
    return multi.reshape(()), items.reshape(3)

# --- scband reference (transcript-rebuilt; emitter-appended) ---
"""Pipeline reference for scband-multi-loss-kld-6579889897518 (READ-ONLY COPY).

The authoritative reference and input builder live on the scoring server;
editing this copy changes nothing except your own understanding.
"""

import jax, jax.numpy as jnp
import numpy as np

KLD_BINS = 64
RATIO_KLD = 0.3
_EPS = 1e-10
_B = 16384


def _one_hot_block(key, B, width):
    idx = jax.random.randint(key, (B,), 0, width)
    return jax.nn.one_hot(idx, width, dtype=jnp.float32)


def setup_inputs(seed: int = 0):
    key = jax.random.key(seed)
    ks = jax.random.split(key, 16)
    B = _B
    data_encoded = jax.random.normal(ks[0], (B, 10), dtype=jnp.float32)
    data_decoded = jax.random.normal(ks[1], (B, 99), dtype=jnp.float32)
    blocks = [jax.random.normal(ks[2], (B, 1), dtype=jnp.float32)]
    widths = [7, 16, 7, 14, 6, 2, 2]
    for j, w in enumerate(widths):
        blocks.append(_one_hot_block(ks[3 + j], B, w))
    blocks.append(jax.random.normal(ks[10], (B, 3), dtype=jnp.float32))
    blocks.append(_one_hot_block(ks[11], B, 41))
    data_true = jnp.concatenate(blocks, axis=1)
    sex_col = jax.random.randint(ks[12], (B,), 0, 2).astype(jnp.float32)
    col0 = jax.random.randint(ks[13], (B,), 0, 2).astype(jnp.float32)
    col2 = jax.random.normal(ks[14], (B,), dtype=jnp.float32)
    label_true = jnp.stack([col0, sex_col, col2], axis=1)
    return {"data_encoded": data_encoded, "data_decoded": data_decoded, "data_true": data_true, "label_true": label_true, "batch_size": B}


def _mse(a, b):
    return jnp.mean((a - b) ** 2)


def _cross_entropy(logits, labels):
    logp = jax.nn.log_softmax(logits, axis=1)
    return -jnp.mean(jnp.take_along_axis(logp, labels[:, None], axis=1))


def _weighted_histc(x, w, lo, hi, bins):
    scaled = (x - lo) / jnp.maximum(hi - lo, _EPS) * bins
    idx = jnp.clip(jnp.floor(scaled), 0, bins - 1).astype(jnp.int32)
    return jnp.zeros((bins,), jnp.float32).at[idx].add(w)


def _forward(data_encoded, data_decoded, data_true, label_true):
    age_loss = _mse(data_decoded[:, 0], data_true[:, 0])
    ce_Loss = 0.0
    for (a, b) in [(1, 8), (8, 24), (24, 31), (31, 45), (45, 51), (51, 53), (53, 55), (58, 99)]:
        labels = jnp.argmax(data_true[:, a:b], axis=1)
        ce_Loss = ce_Loss + _cross_entropy(data_decoded[:, a:b], labels)
    capgain_loss = _mse(data_decoded[:, 55], data_true[:, 55])
    caploss_loss = _mse(data_decoded[:, 56], data_true[:, 56])
    hour_loss = _mse(data_decoded[:, 57], data_true[:, 57])
    mse_Loss = age_loss + capgain_loss + caploss_loss + hour_loss
    encoded_combined = jnp.concatenate([data_encoded, label_true], axis=1)
    min_t = jnp.min(encoded_combined, axis=0)
    max_t = jnp.max(encoded_combined, axis=0)
    sex = encoded_combined[:, 11]
    male_mask = (sex == 0).astype(jnp.float32)
    female_mask = (sex == 1).astype(jnp.float32)
    n_male = jnp.sum(male_mask)
    n_female = jnp.sum(female_mask)
    feats = encoded_combined[:, :-3]
    male_arr = []
    female_arr = []
    for i in range(10):
        male_arr.append(_weighted_histc(feats[:, i], male_mask, min_t[i], max_t[i], KLD_BINS) / n_male)
        female_arr.append(_weighted_histc(feats[:, i], female_mask, min_t[i], max_t[i], KLD_BINS) / n_female)
    p = jax.lax.stop_gradient(jnp.stack(male_arr))
    q = jax.lax.stop_gradient(jnp.stack(female_arr))
    KLD = jnp.sum(p * jnp.log((p + _EPS) / (q + _EPS)))
    alpha = RATIO_KLD
    Multi_loss = (1 - alpha) * (mse_Loss + ce_Loss) + alpha * KLD
    loss_item = jnp.stack([mse_Loss, ce_Loss, alpha * KLD])
    return Multi_loss, loss_item


def reference(data_encoded, data_decoded, data_true, label_true, batch_size):
    return _forward(data_encoded, data_decoded, data_true, label_true)

if __name__ == "__main__":
    import jax
    _d = setup_inputs()
    print(jax.jit(kernel)(*tuple(_d.values())))

</pallas_src>

<mosaic_0001>
#map = affine_map<(d0, d1) -> (0)>
module attributes {stable_mosaic.version = 14 : i64} {
  func.func @_sc_hist_body(%arg0: i32, %arg1: i32, %arg2: memref<212992xf32, #tpu.memory_space<hbm>>, %arg3: memref<1280xf32, #tpu.memory_space<hbm>>, %arg4: memref<10240xf32, #tpu.memory_space<vmem>>, %arg5: memref<1024xf32, #tpu.memory_space<vmem>>, %arg6: memref<1280xf32, #tpu.memory_space<vmem>>, %arg7: memref<320xf32, #tpu.memory_space<vmem>>, %arg8: memref<5120xf32, #tpu.memory_space<vmem>>, %arg9: memref<1280xf32, #tpu.memory_space<vmem>>, %arg10: memref<160xf32, #tpu.memory_space<vmem>>, %arg11: memref<160xf32, #tpu.memory_space<vmem>>, %arg12: memref<5120xf32, #tpu.memory_space<vmem_shared>>, %arg13: memref<20480xf32, #tpu.memory_space<vmem_shared>>, %arg14: memref<!tpu.dma_semaphore, #tpu.memory_space<semaphore_mem>>) attributes {dimension_semantics = [#tpu.dimension_semantics<core_parallel>, #tpu.dimension_semantics<subcore_parallel>], iteration_bounds = array<i64: 1, 16>, scalar_prefetch = 0 : i64, scratch_operands = 11 : i64, tpu.core_type = #tpu.core_type<sc_vector_subcore>, window_params = [{transform_indices = #map}, {transform_indices = #map}]} {
    %mul3A = arith.constant 1024 : i32
    %mul3A_0 = arith.muli %arg1, %mul3A : i32
    %add3A = arith.constant 0 : i32
    %add3A_1 = arith.addi %add3A, %mul3A_0 : i32
    %dma_start3A = arith.constant 0 : i32
    %dma_start3A_2 = tpu.memref_slice %arg4[%dma_start3A] : memref<10240xf32, #tpu.memory_space<vmem>> -> memref<1024xf32, #tpu.memory_space<vmem>>
    %dma_start3A_3 = tpu.memref_slice %arg2[%add3A_1] : memref<212992xf32, #tpu.memory_space<hbm>> -> memref<1024xf32, #tpu.memory_space<hbm>>
    %dma_start3A_4 = arith.constant 0 : i32
    %dma_start3A_5 = tpu.memref_slice %arg4[%dma_start3A_4] : memref<10240xf32, #tpu.memory_space<vmem>> -> memref<1024xf32, #tpu.memory_space<vmem>>
    %dma_start3A_6 = tpu.memref_slice %arg2[%add3A_1] : memref<212992xf32, #tpu.memory_space<hbm>> -> memref<1024xf32, #tpu.memory_space<hbm>>
    tpu.enqueue_dma source(%dma_start3A_6 : memref<1024xf32, #tpu.memory_space<hbm>>) target(%dma_start3A_5 : memref<1024xf32, #tpu.memory_space<vmem>>) target_semaphore(%arg14 : memref<!tpu.dma_semaphore, #tpu.memory_space<semaphore_mem>>)
    %mul3A_7 = arith.constant 1024 : i32
    %mul3A_8 = arith.muli %arg1, %mul3A_7 : i32
    %add3A_9 = arith.constant 16384 : i32
    %add3A_10 = arith.addi %add3A_9, %mul3A_8 : i32
    %dma_start3A_11 = arith.constant 1024 : i32
    %dma_start3A_12 = tpu.memref_slice %arg4[%dma_start3A_11] : memref<10240xf32, #tpu.memory_space<vmem>> -> memref<1024xf32, #tpu.memory_space<vmem>>
    %dma_start3A_13 = tpu.memref_slice %arg2[%add3A_10] : memref<212992xf32, #tpu.memory_space<hbm>> -> memref<1024xf32, #tpu.memory_space<hbm>>
    %dma_start3A_14 = arith.constant 1024 : i32
    %dma_start3A_15 = tpu.memref_slice %arg4[%dma_start3A_14] : memref<10240xf32, #tpu.memory_space<vmem>> -> memref<1024xf32, #tpu.memory_space<vmem>>
    %dma_start3A_16 = tpu.memref_slice %arg2[%add3A_10] : memref<212992xf32, #tpu.memory_space<hbm>> -> memref<1024xf32, #tpu.memory_space<hbm>>
    tpu.enqueue_dma source(%dma_start3A_16 : memref<1024xf32, #tpu.memory_space<hbm>>) target(%dma_start3A_15 : memref<1024xf32, #tpu.memory_space<vmem>>) target_semaphore(%arg14 : memref<!tpu.dma_semaphore, #tpu.memory_space<semaphore_mem>>)
    %mul3A_17 = arith.constant 1024 : i32
    %mul3A_18 = arith.muli %arg1, %mul3A_17 : i32
    %add3A_19 = arith.constant 32768 : i32
    %add3A_20 = arith.addi %add3A_19, %mul3A_18 : i32
    %dma_start3A_21 = arith.constant 2048 : i32
    %dma_start3A_22 = tpu.memref_slice %arg4[%dma_start3A_21] : memref<10240xf32, #tpu.memory_space<vmem>> -> memref<1024xf32, #tpu.memory_space<vmem>>
    %dma_start3A_23 = tpu.memref_slice %arg2[%add3A_20] : memref<212992xf32, #tpu.memory_space<hbm>> -> memref<1024xf32, #tpu.memory_space<hbm>>
    %dma_start3A_24 = arith.constant 2048 : i32
    %dma_start3A_25 = tpu.memref_slice %arg4[%dma_start3A_24] : memref<10240xf32, #tpu.memory_space<vmem>> -> memref<1024xf32, #tpu.memory_space<vmem>>
    %dma_start3A_26 = tpu.memref_slice %arg2[%add3A_20] : memref<212992xf32, #tpu.memory_space<hbm>> -> memref<1024xf32, #tpu.memory_space<hbm>>
    tpu.enqueue_dma source(%dma_start3A_26 : memref<1024xf32, #tpu.memory_space<hbm>>) target(%dma_start3A_25 : memref<1024xf32, #tpu.memory_space<vmem>>) target_semaphore(%arg14 : memref<!tpu.dma_semaphore, #tpu.memory_space<semaphore_mem>>)
    %mul3A_27 = arith.constant 1024 : i32
    %mul3A_28 = arith.muli %arg1, %mul3A_27 : i32
    %add3A_29 = arith.constant 49152 : i32
    %add3A_30 = arith.addi %add3A_29, %mul3A_28 : i32
    %dma_start3A_31 = arith.constant 3072 : i32
    %dma_start3A_32 = tpu.memref_slice %arg4[%dma_start3A_31] : memref<10240xf32, #tpu.memory_space<vmem>> -> memref<1024xf32, #tpu.memory_space<vmem>>
    %dma_start3A_33 = tpu.memref_slice %arg2[%add3A_30] : memref<212992xf32, #tpu.memory_space<hbm>> -> memref<1024xf32, #tpu.memory_space<hbm>>
    %dma_start3A_34 = arith.constant 3072 : i32
    %dma_start3A_35 = tpu.memref_slice %arg4[%dma_start3A_34] : memref<10240xf32, #tpu.memory_space<vmem>> -> memref<1024xf32, #tpu.memory_space<vmem>>
    %dma_start3A_36 = tpu.memref_slice %arg2[%add3A_30] : memref<212992xf32, #tpu.memory_space<hbm>> -> memref<1024xf32, #tpu.memory_space<hbm>>
    tpu.enqueue_dma source(%dma_start3A_36 : memref<1024xf32, #tpu.memory_space<hbm>>) target(%dma_start3A_35 : memref<1024xf32, #tpu.memory_space<vmem>>) target_semaphore(%arg14 : memref<!tpu.dma_semaphore, #tpu.memory_space<semaphore_mem>>)
    %mul3A_37 = arith.constant 1024 : i32
    %mul3A_38 = arith.muli %arg1, %mul3A_37 : i32
    %add3A_39 = arith.constant 65536 : i32
    %add3A_40 = arith.addi %add3A_39, %mul3A_38 : i32
    %dma_start3A_41 = arith.constant 4096 : i32
    %dma_start3A_42 = tpu.memref_slice %arg4[%dma_start3A_41] : memref<10240xf32, #tpu.memory_space<vmem>> -> memref<1024xf32, #tpu.memory_space<vmem>>
    %dma_start3A_43 = tpu.memref_slice %arg2[%add3A_40] : memref<212992xf32, #tpu.memory_space<hbm>> -> memref<1024xf32, #tpu.memory_space<hbm>>
    %dma_start3A_44 = arith.constant 4096 : i32
    %dma_start3A_45 = tpu.memref_slice %arg4[%dma_start3A_44] : memref<10240xf32, #tpu.memory_space<vmem>> -> memref<1024xf32, #tpu.memory_space<vmem>>
    %dma_start3A_46 = tpu.memref_slice %arg2[%add3A_40] : memref<212992xf32, #tpu.memory_space<hbm>> -> memref<1024xf32, #tpu.memory_space<hbm>>
    tpu.enqueue_dma source(%dma_start3A_46 : memref<1024xf32, #tpu.memory_space<hbm>>) target(%dma_start3A_45 : memref<1024xf32, #tpu.memory_space<vmem>>) target_semaphore(%arg14 : memref<!tpu.dma_semaphore, #tpu.memory_space<semaphore_mem>>)
    %mul3A_47 = arith.constant 1024 : i32
    %mul3A_48 = arith.muli %arg1, %mul3A_47 : i32
    %add3A_49 = arith.constant 81920 : i32
    %add3A_50 = arith.addi %add3A_49, %mul3A_48 : i32
    %dma_start3A_51 = arith.constant 5120 : i32
    %dma_start3A_52 = tpu.memref_slice %arg4[%dma_start3A_51] : memref<10240xf32, #tpu.memory_space<vmem>> -> memref<1024xf32, #tpu.memory_space<vmem>>
    %dma_start3A_53 = tpu.memref_slice %arg2[%add3A_50] : memref<212992xf32, #tpu.memory_space<hbm>> -> memref<1024xf32, #tpu.memory_space<hbm>>
    %dma_start3A_54 = arith.constant 5120 : i32
    %dma_start3A_55 = tpu.memref_slice %arg4[%dma_start3A_54] : memref<10240xf32, #tpu.memory_space<vmem>> -> memref<1024xf32, #tpu.memory_space<vmem>>
    %dma_start3A_56 = tpu.memref_slice %arg2[%add3A_50] : memref<212992xf32, #tpu.memory_space<hbm>> -> memref<1024xf32, #tpu.memory_space<hbm>>
    tpu.enqueue_dma source(%dma_start3A_56 : memref<1024xf32, #tpu.memory_space<hbm>>) target(%dma_start3A_55 : memref<1024xf32, #tpu.memory_space<vmem>>) target_semaphore(%arg14 : memref<!tpu.dma_semaphore, #tpu.memory_space<semaphore_mem>>)
    %mul3A_57 = arith.constant 1024 : i32
    %mul3A_58 = arith.muli %arg1, %mul3A_57 : i32
    %add3A_59 = arith.constant 98304 : i32
    %add3A_60 = arith.addi %add3A_59, %mul3A_58 : i32
    %dma_start3A_61 = arith.constant 6144 : i32
    %dma_start3A_62 = tpu.memref_slice %arg4[%dma_start3A_61] : memref<10240xf32, #tpu.memory_space<vmem>> -> memref<1024xf32, #tpu.memory_space<vmem>>
    %dma_start3A_63 = tpu.memref_slice %arg2[%add3A_60] : memref<212992xf32, #tpu.memory_space<hbm>> -> memref<1024xf32, #tpu.memory_space<hbm>>
    %dma_start3A_64 = arith.constant 6144 : i32
    %dma_start3A_65 = tpu.memref_slice %arg4[%dma_start3A_64] : memref<10240xf32, #tpu.memory_space<vmem>> -> memref<1024xf32, #tpu.memory_space<vmem>>
    %dma_start3A_66 = tpu.memref_slice %arg2[%add3A_60] : memref<212992xf32, #tpu.memory_space<hbm>> -> memref<1024xf32, #tpu.memory_space<hbm>>
    tpu.enqueue_dma source(%dma_start3A_66 : memref<1024xf32, #tpu.memory_space<hbm>>) target(%dma_start3A_65 : memref<1024xf32, #tpu.memory_space<vmem>>) target_semaphore(%arg14 : memref<!tpu.dma_semaphore, #tpu.memory_space<semaphore_mem>>)
    %mul3A_67 = arith.constant 1024 : i32
    %mul3A_68 = arith.muli %arg1, %mul3A_67 : i32
    %add3A_69 = arith.constant 114688 : i32
    %add3A_70 = arith.addi %add3A_69, %mul3A_68 : i32
    %dma_start3A_71 = arith.constant 7168 : i32
    %dma_start3A_72 = tpu.memref_slice %arg4[%dma_start3A_71] : memref<10240xf32, #tpu.memory_space<vmem>> -> memref<1024xf32, #tpu.memory_space<vmem>>
    %dma_start3A_73 = tpu.memref_slice %arg2[%add3A_70] : memref<212992xf32, #tpu.memory_space<hbm>> -> memref<1024xf32, #tpu.memory_space<hbm>>
    %dma_start3A_74 = arith.constant 7168 : i32
    %dma_start3A_75 = tpu.memref_slice %arg4[%dma_start3A_74] : memref<10240xf32, #tpu.memory_space<vmem>> -> memref<1024xf32, #tpu.memory_space<vmem>>
    %dma_start3A_76 = tpu.memref_slice %arg2[%add3A_70] : memref<212992xf32, #tpu.memory_space<hbm>> -> memref<1024xf32, #tpu.memory_space<hbm>>
    tpu.enqueue_dma source(%dma_start3A_76 : memref<1024xf32, #tpu.memory_space<hbm>>) target(%dma_start3A_75 : memref<1024xf32, #tpu.memory_space<vmem>>) target_semaphore(%arg14 : memref<!tpu.dma_semaphore, #tpu.memory_space<semaphore_mem>>)
    %mul3A_77 = arith.constant 1024 : i32
    %mul3A_78 = arith.muli %arg1, %mul3A_77 : i32
    %add3A_79 = arith.constant 131072 : i32
    %add3A_80 = arith.addi %add3A_79, %mul3A_78 : i32
    %dma_start3A_81 = arith.constant 8192 : i32
    %dma_start3A_82 = tpu.memref_slice %arg4[%dma_start3A_81] : memref<10240xf32, #tpu.memory_space<vmem>> -> memref<1024xf32, #tpu.memory_space<vmem>>
    %dma_start3A_83 = tpu.memref_slice %arg2[%add3A_80] : memref<212992xf32, #tpu.memory_space<hbm>> -> memref<1024xf32, #tpu.memory_space<hbm>>
    %dma_start3A_84 = arith.constant 8192 : i32
    %dma_start3A_85 = tpu.memref_slice %arg4[%dma_start3A_84] : memref<10240xf32, #tpu.memory_space<vmem>> -> memref<1024xf32, #tpu.memory_space<vmem>>
    %dma_start3A_86 = tpu.memref_slice %arg2[%add3A_80] : memref<212992xf32, #tpu.memory_space<hbm>> -> memref<1024xf32, #tpu.memory_space<hbm>>
    tpu.enqueue_dma source(%dma_start3A_86 : memref<1024xf32, #tpu.memory_space<hbm>>) target(%dma_start3A_85 : memref<1024xf32, #tpu.memory_space<vmem>>) target_semaphore(%arg14 : memref<!tpu.dma_semaphore, #tpu.memory_space<semaphore_mem>>)
    %mul3A_87 = arith.constant 1024 : i32
    %mul3A_88 = arith.muli %arg1, %mul3A_87 : i32
    %add3A_89 = arith.constant 147456 : i32
    %add3A_90 = arith.addi %add3A_89, %mul3A_88 : i32
    %dma_start3A_91 = arith.constant 9216 : i32
    %dma_start3A_92 = tpu.memref_slice %arg4[%dma_start3A_91] : memref<10240xf32, #tpu.memory_space<vmem>> -> memref<1024xf32, #tpu.memory_space<vmem>>
    %dma_start3A_93 = tpu.memref_slice %arg2[%add3A_90] : memref<212992xf32, #tpu.memory_space<hbm>> -> memref<1024xf32, #tpu.memory_space<hbm>>
    %dma_start3A_94 = arith.constant 9216 : i32
    %dma_start3A_95 = tpu.memref_slice %arg4[%dma_start3A_94] : memref<10240xf32, #tpu.memory_space<vmem>> -> memref<1024xf32, #tpu.memory_space<vmem>>
    %dma_start3A_96 = tpu.memref_slice %arg2[%add3A_90] : memref<212992xf32, #tpu.memory_space<hbm>> -> memref<1024xf32, #tpu.memory_space<hbm>>
    tpu.enqueue_dma source(%dma_start3A_96 : memref<1024xf32, #tpu.memory_space<hbm>>) target(%dma_start3A_95 : memref<1024xf32, #tpu.memory_space<vmem>>) target_semaphore(%arg14 : memref<!tpu.dma_semaphore, #tpu.memory_space<semaphore_mem>>)
    %mul3A_97 = arith.constant 1024 : i32
    %mul3A_98 = arith.muli %arg1, %mul3A_97 : i32
    %add3A_99 = arith.constant 180224 : i32
    %add3A_100 = arith.addi %add3A_99, %mul3A_98 : i32
    %dma_start3A_101 = tpu.memref_slice %arg2[%add3A_100] : memref<212992xf32, #tpu.memory_space<hbm>> -> memref<1024xf32, #tpu.memory_space<hbm>>
    %dma_start3A_102 = tpu.memref_slice %arg2[%add3A_100] : memref<212992xf32, #tpu.memory_space<hbm>> -> memref<1024xf32, #tpu.memory_space<hbm>>
    tpu.enqueue_dma source(%dma_start3A_102 : memref<1024xf32, #tpu.memory_space<hbm>>) target(%arg5 : memref<1024xf32, #tpu.memory_space<vmem>>) target_semaphore(%arg14 : memref<!tpu.dma_semaphore, #tpu.memory_space<semaphore_mem>>)
    %broadcast_in_dim3A = arith.constant 0.000000e+00 : f32
    %broadcast_in_dim3A_103 = vector.broadcast %broadcast_in_dim3A : f32 to vector<16xf32>
    %parallel_loop3A = arith.constant 0 : i32
    %parallel_loop3A_104 = arith.constant 80 : i32
    %parallel_loop3A_105 = arith.constant 1 : i32
    scf.for %parallel_loop3A_697 = %parallel_loop3A to %parallel_loop3A_104 step %parallel_loop3A_105  : i32 {
      %parallel_loop3A_698 = arith.constant 16 : i32
      %parallel_loop3A_699 = arith.muli %parallel_loop3A_697, %parallel_loop3A_698 : i32
      %parallel_loop3A_700 = arith.index_cast %parallel_loop3A_699 : i32 to index
      %parallel_loop3A_701 = tpu.vector_load %arg6[%parallel_loop3A_700] {strides = array<i32>} : memref<1280xf32, #tpu.memory_space<vmem>>, vector<16xf32>,
      tpu.vector_store %arg6[%parallel_loop3A_700], %broadcast_in_dim3A_103 {strides = array<i32>} : memref<1280xf32, #tpu.memory_space<vmem>>, vector<16xf32>,
    } {sc.loop_unroll_factor = 4 : i64, sc.parallel_access}
    %dma_wait3A = arith.constant 0 : i32
    %dma_wait3A_106 = tpu.memref_slice %arg4[%dma_wait3A] : memref<10240xf32, #tpu.memory_space<vmem>> -> memref<1024xf32, #tpu.memory_space<vmem>>
    %dma_wait3A_107 = tpu.memref_slice %arg2[%add3A_1] : memref<212992xf32, #tpu.memory_space<hbm>> -> memref<1024xf32, #tpu.memory_space<hbm>>
    %dma_wait3A_108 = arith.constant 0 : i32
    %dma_wait3A_109 = tpu.memref_slice %arg4[%dma_wait3A_108] : memref<10240xf32, #tpu.memory_space<vmem>> -> memref<1024xf32, #tpu.memory_space<vmem>>
    %dma_wait3A_110 = tpu.memref_slice %arg2[%add3A_1] : memref<212992xf32, #tpu.memory_space<hbm>> -> memref<1024xf32, #tpu.memory_space<hbm>>
    tpu.wait_dma2 semaphore(%arg14 : memref<!tpu.dma_semaphore, #tpu.memory_space<semaphore_mem>>) src(%dma_wait3A_110 : memref<1024xf32, #tpu.memory_space<hbm>>) dst(%dma_wait3A_109 : memref<1024xf32, #tpu.memory_space<vmem>>)
    %dma_wait3A_111 = arith.constant 1024 : i32
    %dma_wait3A_112 = tpu.memref_slice %arg4[%dma_wait3A_111] : memref<10240xf32, #tpu.memory_space<vmem>> -> memref<1024xf32, #tpu.memory_space<vmem>>
    %dma_wait3A_113 = tpu.memref_slice %arg2[%add3A_10] : memref<212992xf32, #tpu.memory_space<hbm>> -> memref<1024xf32, #tpu.memory_space<hbm>>
    %dma_wait3A_114 = arith.constant 1024 : i32
    %dma_wait3A_115 = tpu.memref_slice %arg4[%dma_wait3A_114] : memref<10240xf32, #tpu.memory_space<vmem>> -> memref<1024xf32, #tpu.memory_space<vmem>>
    %dma_wait3A_116 = tpu.memref_slice %arg2[%add3A_10] : memref<212992xf32, #tpu.memory_space<hbm>> -> memref<1024xf32, #tpu.memory_space<hbm>>
    tpu.wait_dma2 semaphore(%arg14 : memref<!tpu.dma_semaphore, #tpu.memory_space<semaphore_mem>>) src(%dma_wait3A_116 : memref<1024xf32, #tpu.memory_space<hbm>>) dst(%dma_wait3A_115 : memref<1024xf32, #tpu.memory_space<vmem>>)
    %dma_wait3A_117 = arith.constant 2048 : i32
    %dma_wait3A_118 = tpu.memref_slice %arg4[%dma_wait3A_117] : memref<10240xf32, #tpu.memory_space<vmem>> -> memref<1024xf32, #tpu.memory_space<vmem>>
    %dma_wait3A_119 = tpu.memref_slice %arg2[%add3A_20] : memref<212992xf32, #tpu.memory_space<hbm>> -> memref<1024xf32, #tpu.memory_space<hbm>>
    %dma_wait3A_120 = arith.constant 2048 : i32
    %dma_wait3A_121 = tpu.memref_slice %arg4[%dma_wait3A_120] : memref<10240xf32, #tpu.memory_space<vmem>> -> memref<1024xf32, #tpu.memory_space<vmem>>
    %dma_wait3A_122 = tpu.memref_slice %arg2[%add3A_20] : memref<212992xf32, #tpu.memory_space<hbm>> -> memref<1024xf32, #tpu.memory_space<hbm>>
    tpu.wait_dma2 semaphore(%arg14 : memref<!tpu.dma_semaphore, #tpu.memory_space<semaphore_mem>>) src(%dma_wait3A_122 : memref<1024xf32, #tpu.memory_space<hbm>>) dst(%dma_wait3A_121 : memref<1024xf32, #tpu.memory_space<vmem>>)
    %dma_wait3A_123 = arith.constant 3072 : i32
    %dma_wait3A_124 = tpu.memref_slice %arg4[%dma_wait3A_123] : memref<10240xf32, #tpu.memory_space<vmem>> -> memref<1024xf32, #tpu.memory_space<vmem>>
    %dma_wait3A_125 = tpu.memref_slice %arg2[%add3A_30] : memref<212992xf32, #tpu.memory_space<hbm>> -> memref<1024xf32, #tpu.memory_space<hbm>>
    %dma_wait3A_126 = arith.constant 3072 : i32
    %dma_wait3A_127 = tpu.memref_slice %arg4[%dma_wait3A_126] : memref<10240xf32, #tpu.memory_space<vmem>> -> memref<1024xf32, #tpu.memory_space<vmem>>
    %dma_wait3A_128 = tpu.memref_slice %arg2[%add3A_30] : memref<212992xf32, #tpu.memory_space<hbm>> -> memref<1024xf32, #tpu.memory_space<hbm>>
    tpu.wait_dma2 semaphore(%arg14 : memref<!tpu.dma_semaphore, #tpu.memory_space<semaphore_mem>>) src(%dma_wait3A_128 : memref<1024xf32, #tpu.memory_space<hbm>>) dst(%dma_wait3A_127 : memref<1024xf32, #tpu.memory_space<vmem>>)
    %dma_wait3A_129 = arith.constant 4096 : i32
    %dma_wait3A_130 = tpu.memref_slice %arg4[%dma_wait3A_129] : memref<10240xf32, #tpu.memory_space<vmem>> -> memref<1024xf32, #tpu.memory_space<vmem>>
    %dma_wait3A_131 = tpu.memref_slice %arg2[%add3A_40] : memref<212992xf32, #tpu.memory_space<hbm>> -> memref<1024xf32, #tpu.memory_space<hbm>>
    %dma_wait3A_132 = arith.constant 4096 : i32
    %dma_wait3A_133 = tpu.memref_slice %arg4[%dma_wait3A_132] : memref<10240xf32, #tpu.memory_space<vmem>> -> memref<1024xf32, #tpu.memory_space<vmem>>
    %dma_wait3A_134 = tpu.memref_slice %arg2[%add3A_40] : memref<212992xf32, #tpu.memory_space<hbm>> -> memref<1024xf32, #tpu.memory_space<hbm>>
    tpu.wait_dma2 semaphore(%arg14 : memref<!tpu.dma_semaphore, #tpu.memory_space<semaphore_mem>>) src(%dma_wait3A_134 : memref<1024xf32, #tpu.memory_space<hbm>>) dst(%dma_wait3A_133 : memref<1024xf32, #tpu.memory_space<vmem>>)
    %dma_wait3A_135 = arith.constant 5120 : i32
    %dma_wait3A_136 = tpu.memref_slice %arg4[%dma_wait3A_135] : memref<10240xf32, #tpu.memory_space<vmem>> -> memref<1024xf32, #tpu.memory_space<vmem>>
    %dma_wait3A_137 = tpu.memref_slice %arg2[%add3A_50] : memref<212992xf32, #tpu.memory_space<hbm>> -> memref<1024xf32, #tpu.memory_space<hbm>>
    %dma_wait3A_138 = arith.constant 5120 : i32
    %dma_wait3A_139 = tpu.memref_slice %arg4[%dma_wait3A_138] : memref<10240xf32, #tpu.memory_space<vmem>> -> memref<1024xf32, #tpu.memory_space<vmem>>
    %dma_wait3A_140 = tpu.memref_slice %arg2[%add3A_50] : memref<212992xf32, #tpu.memory_space<hbm>> -> memref<1024xf32, #tpu.memory_space<hbm>>
    tpu.wait_dma2 semaphore(%arg14 : memref<!tpu.dma_semaphore, #tpu.memory_space<semaphore_mem>>) src(%dma_wait3A_140 : memref<1024xf32, #tpu.memory_space<hbm>>) dst(%dma_wait3A_139 : memref<1024xf32, #tpu.memory_space<vmem>>)
    %dma_wait3A_141 = arith.constant 6144 : i32
    %dma_wait3A_142 = tpu.memref_slice %arg4[%dma_wait3A_141] : memref<10240xf32, #tpu.memory_space<vmem>> -> memref<1024xf32, #tpu.memory_space<vmem>>
    %dma_wait3A_143 = tpu.memref_slice %arg2[%add3A_60] : memref<212992xf32, #tpu.memory_space<hbm>> -> memref<1024xf32, #tpu.memory_space<hbm>>
    %dma_wait3A_144 = arith.constant 6144 : i32
    %dma_wait3A_145 = tpu.memref_slice %arg4[%dma_wait3A_144] : memref<10240xf32, #tpu.memory_space<vmem>> -> memref<1024xf32, #tpu.memory_space<vmem>>
    %dma_wait3A_146 = tpu.memref_slice %arg2[%add3A_60] : memref<212992xf32, #tpu.memory_space<hbm>> -> memref<1024xf32, #tpu.memory_space<hbm>>
    tpu.wait_dma2 semaphore(%arg14 : memref<!tpu.dma_semaphore, #tpu.memory_space<semaphore_mem>>) src(%dma_wait3A_146 : memref<1024xf32, #tpu.memory_space<hbm>>) dst(%dma_wait3A_145 : memref<1024xf32, #tpu.memory_space<vmem>>)
    %dma_wait3A_147 = arith.constant 7168 : i32
    %dma_wait3A_148 = tpu.memref_slice %arg4[%dma_wait3A_147] : memref<10240xf32, #tpu.memory_space<vmem>> -> memref<1024xf32, #tpu.memory_space<vmem>>
    %dma_wait3A_149 = tpu.memref_slice %arg2[%add3A_70] : memref<212992xf32, #tpu.memory_space<hbm>> -> memref<1024xf32, #tpu.memory_space<hbm>>
    %dma_wait3A_150 = arith.constant 7168 : i32
    %dma_wait3A_151 = tpu.memref_slice %arg4[%dma_wait3A_150] : memref<10240xf32, #tpu.memory_space<vmem>> -> memref<1024xf32, #tpu.memory_space<vmem>>
    %dma_wait3A_152 = tpu.memref_slice %arg2[%add3A_70] : memref<212992xf32, #tpu.memory_space<hbm>> -> memref<1024xf32, #tpu.memory_space<hbm>>
    tpu.wait_dma2 semaphore(%arg14 : memref<!tpu.dma_semaphore, #tpu.memory_space<semaphore_mem>>) src(%dma_wait3A_152 : memref<1024xf32, #tpu.memory_space<hbm>>) dst(%dma_wait3A_151 : memref<1024xf32, #tpu.memory_space<vmem>>)
    %dma_wait3A_153 = arith.constant 8192 : i32
    %dma_wait3A_154 = tpu.memref_slice %arg4[%dma_wait3A_153] : memref<10240xf32, #tpu.memory_space<vmem>> -> memref<1024xf32, #tpu.memory_space<vmem>>
    %dma_wait3A_155 = tpu.memref_slice %arg2[%add3A_80] : memref<212992xf32, #tpu.memory_space<hbm>> -> memref<1024xf32, #tpu.memory_space<hbm>>
    %dma_wait3A_156 = arith.constant 8192 : i32
    %dma_wait3A_157 = tpu.memref_slice %arg4[%dma_wait3A_156] : memref<10240xf32, #tpu.memory_space<vmem>> -> memref<1024xf32, #tpu.memory_space<vmem>>
    %dma_wait3A_158 = tpu.memref_slice %arg2[%add3A_80] : memref<212992xf32, #tpu.memory_space<hbm>> -> memref<1024xf32, #tpu.memory_space<hbm>>
    tpu.wait_dma2 semaphore(%arg14 : memref<!tpu.dma_semaphore, #tpu.memory_space<semaphore_mem>>) src(%dma_wait3A_158 : memref<1024xf32, #tpu.memory_space<hbm>>) dst(%dma_wait3A_157 : memref<1024xf32, #tpu.memory_space<vmem>>)
    %dma_wait3A_159 = arith.constant 9216 : i32
    %dma_wait3A_160 = tpu.memref_slice %arg4[%dma_wait3A_159] : memref<10240xf32, #tpu.memory_space<vmem>> -> memref<1024xf32, #tpu.memory_space<vmem>>
    %dma_wait3A_161 = tpu.memref_slice %arg2[%add3A_90] : memref<212992xf32, #tpu.memory_space<hbm>> -> memref<1024xf32, #tpu.memory_space<hbm>>
    %dma_wait3A_162 = arith.constant 9216 : i32
    %dma_wait3A_163 = tpu.memref_slice %arg4[%dma_wait3A_162] : memref<10240xf32, #tpu.memory_space<vmem>> -> memref<1024xf32, #tpu.memory_space<vmem>>
    %dma_wait3A_164 = tpu.memref_slice %arg2[%add3A_90] : memref<212992xf32, #tpu.memory_space<hbm>> -> memref<1024xf32, #tpu.memory_space<hbm>>
    tpu.wait_dma2 semaphore(%arg14 : memref<!tpu.dma_semaphore, #tpu.memory_space<semaphore_mem>>) src(%dma_wait3A_164 : memref<1024xf32, #tpu.memory_space<hbm>>) dst(%dma_wait3A_163 : memref<1024xf32, #tpu.memory_space<vmem>>)
    %dma_wait3A_165 = tpu.memref_slice %arg2[%add3A_100] : memref<212992xf32, #tpu.memory_space<hbm>> -> memref<1024xf32, #tpu.memory_space<hbm>>
    %dma_wait3A_166 = tpu.memref_slice %arg2[%add3A_100] : memref<212992xf32, #tpu.memory_space<hbm>> -> memref<1024xf32, #tpu.memory_space<hbm>>
    tpu.wait_dma2 semaphore(%arg14 : memref<!tpu.dma_semaphore, #tpu.memory_space<semaphore_mem>>) src(%dma_wait3A_166 : memref<1024xf32, #tpu.memory_space<hbm>>) dst(%arg5 : memref<1024xf32, #tpu.memory_space<vmem>>)
    %broadcast_in_dim3A_167 = arith.constant 0x7F800000 : f32
    %broadcast_in_dim3A_168 = vector.broadcast %broadcast_in_dim3A_167 : f32 to vector<16xf32>
    %broadcast_in_dim3A_169 = arith.constant 0xFF800000 : f32
    %broadcast_in_dim3A_170 = vector.broadcast %broadcast_in_dim3A_169 : f32 to vector<16xf32>
    %scan3A = arith.constant 0 : i32
    %scan3A_171 = arith.constant 0 : i32
    %scan3A_172 = arith.constant 10 : i32
    %scan3A_173 = arith.addi %scan3A_171, %scan3A_172 : i32
    %scan3A_174 = arith.constant 1 : i32
    scf.for %scan3A_697 = %scan3A_171 to %scan3A_173 step %scan3A_174  : i32 {
      %parallel_loop3A_698 = arith.constant 0 : i32
      %parallel_loop3A_699 = arith.constant 64 : i32
      %parallel_loop3A_700 = arith.constant 1 : i32
      %parallel_loop3A_701:2 = scf.for %parallel_loop3A_712 = %parallel_loop3A_698 to %parallel_loop3A_699 step %parallel_loop3A_700 iter_args(%parallel_loop3A_713 = %broadcast_in_dim3A_168, %parallel_loop3A_714 = %broadcast_in_dim3A_170) -> (vector<16xf32>, vector<16xf32>)  : i32 {
        %parallel_loop3A_715 = arith.constant 1024 : i32
        %parallel_loop3A_716 = arith.muli %scan3A_697, %parallel_loop3A_715 : i32
        %parallel_loop3A_717 = arith.constant 16 : i32
        %parallel_loop3A_718 = arith.muli %parallel_loop3A_712, %parallel_loop3A_717 : i32
        %parallel_loop3A_719 = arith.addi %parallel_loop3A_716, %parallel_loop3A_718 : i32
        %parallel_loop3A_720 = arith.index_cast %parallel_loop3A_719 : i32 to index
        %parallel_loop3A_721 = tpu.vector_load %arg4[%parallel_loop3A_720] {strides = array<i32>} : memref<10240xf32, #tpu.memory_space<vmem>>, vector<16xf32>,
        %parallel_loop3A_722 = arith.minimumf %parallel_loop3A_713, %parallel_loop3A_721 : vector<16xf32>
        %parallel_loop3A_723 = arith.maximumf %parallel_loop3A_714, %parallel_loop3A_721 : vector<16xf32>
        scf.yield %parallel_loop3A_722, %parallel_loop3A_723 : vector<16xf32>, vector<16xf32>
      } {sc.loop_unroll_factor = 8 : i64, sc.parallel_access}
      %mul3A_702 = arith.constant 16 : i32
      %mul3A_703 = arith.muli %scan3A_697, %mul3A_702 : i32
      %swap3A_704 = arith.index_cast %mul3A_703 : i32 to index
      %swap3A_705 = tpu.vector_load %arg7[%swap3A_704] {strides = array<i32>} : memref<320xf32, #tpu.memory_space<vmem>>, vector<16xf32>,
      tpu.vector_store %arg7[%swap3A_704], %parallel_loop3A_701#0 {strides = array<i32>} : memref<320xf32, #tpu.memory_space<vmem>>, vector<16xf32>,
      %mul3A_706 = arith.constant 16 : i32
      %mul3A_707 = arith.muli %scan3A_697, %mul3A_706 : i32
      %add3A_708 = arith.constant 160 : i32
      %add3A_709 = arith.addi %add3A_708, %mul3A_707 : i32
      %swap3A_710 = arith.index_cast %add3A_709 : i32 to index
      %swap3A_711 = tpu.vector_load %arg7[%swap3A_710] {strides = array<i32>} : memref<320xf32, #tpu.memory_space<vmem>>, vector<16xf32>,
      tpu.vector_store %arg7[%swap3A_710], %parallel_loop3A_701#1 {strides = array<i32>} : memref<320xf32, #tpu.memory_space<vmem>>, vector<16xf32>,
    }
    %scan3A_175 = arith.constant 10 : i32
    %mul3A_176 = arith.constant 320 : i32
    %mul3A_177 = arith.muli %arg1, %mul3A_176 : i32
    "tpu.region"() ({
      %run_scoped3A = tpu.sem_alloc : memref<!tpu.dma_semaphore, #tpu.memory_space<semaphore_mem>>
      %dma_start3A_697 = tpu.memref_slice %arg12[%mul3A_177] : memref<5120xf32, #tpu.memory_space<vmem_shared>> -> memref<320xf32, #tpu.memory_space<vmem_shared>>
      %dma_start3A_698 = tpu.memref_slice %arg12[%mul3A_177] : memref<5120xf32, #tpu.memory_space<vmem_shared>> -> memref<320xf32, #tpu.memory_space<vmem_shared>>
      tpu.enqueue_dma source(%arg7 : memref<320xf32, #tpu.memory_space<vmem>>) target(%dma_start3A_698 : memref<320xf32, #tpu.memory_space<vmem_shared>>) target_semaphore(%run_scoped3A : memref<!tpu.dma_semaphore, #tpu.memory_space<semaphore_mem>>)
      %dma_wait3A_699 = tpu.memref_slice %arg12[%mul3A_177] : memref<5120xf32, #tpu.memory_space<vmem_shared>> -> memref<320xf32, #tpu.memory_space<vmem_shared>>
      %dma_wait3A_700 = tpu.memref_slice %arg12[%mul3A_177] : memref<5120xf32, #tpu.memory_space<vmem_shared>> -> memref<320xf32, #tpu.memory_space<vmem_shared>>
      tpu.wait_dma2 semaphore(%run_scoped3A : memref<!tpu.dma_semaphore, #tpu.memory_space<semaphore_mem>>) src(%arg7 : memref<320xf32, #tpu.memory_space<vmem>>) dst(%dma_wait3A_700 : memref<320xf32, #tpu.memory_space<vmem_shared>>)
      tpu.yield
    }) : () -> ()
    %barrier3A = arith.constant 0 : index
    tpu.barrier barrier_id(%barrier3A)
    "tpu.region"() ({
      %run_scoped3A = tpu.sem_alloc : memref<!tpu.dma_semaphore, #tpu.memory_space<semaphore_mem>>
      tpu.enqueue_dma source(%arg12 : memref<5120xf32, #tpu.memory_space<vmem_shared>>) target(%arg8 : memref<5120xf32, #tpu.memory_space<vmem>>) target_semaphore(%run_scoped3A : memref<!tpu.dma_semaphore, #tpu.memory_space<semaphore_mem>>)
      tpu.wait_dma2 semaphore(%run_scoped3A : memref<!tpu.dma_semaphore, #tpu.memory_space<semaphore_mem>>) src(%arg12 : memref<5120xf32, #tpu.memory_space<vmem_shared>>) dst(%arg8 : memref<5120xf32, #tpu.memory_space<vmem>>)
      tpu.yield
    }) : () -> ()
    %iota3A = tpu.iota {dimensions = array<i32: 0>} : vector<16xi32>
    %scan3A_178 = arith.constant 0 : i32
    %scan3A_179 = arith.constant 0 : i32
    %scan3A_180 = arith.constant 10 : i32
    %scan3A_181 = arith.addi %scan3A_179, %scan3A_180 : i32
    %scan3A_182 = arith.constant 1 : i32
    scf.for %scan3A_697 = %scan3A_179 to %scan3A_181 step %scan3A_182  : i32 {
      %scan3A_698 = arith.constant 0 : i32
      %scan3A_699 = arith.constant 16 : i32
      %scan3A_700 = arith.addi %scan3A_698, %scan3A_699 : i32
      %scan3A_701 = arith.constant 1 : i32
      %scan3A_702:2 = scf.for %scan3A_769 = %scan3A_698 to %scan3A_700 step %scan3A_701 iter_args(%scan3A_770 = %broadcast_in_dim3A_168, %scan3A_771 = %broadcast_in_dim3A_170) -> (vector<16xf32>, vector<16xf32>)  : i32 {
        %mul3A_772 = arith.constant 320 : i32
        %mul3A_773 = arith.muli %scan3A_769, %mul3A_772 : i32
        %mul3A_774 = arith.constant 16 : i32
        %mul3A_775 = arith.muli %scan3A_697, %mul3A_774 : i32
        %add3A_776 = arith.addi %mul3A_773, %mul3A_775 : i32
        %get3A_777 = arith.index_cast %add3A_776 : i32 to index
        %get3A_778 = tpu.vector_load %arg8[%get3A_777] {strides = array<i32>} : memref<5120xf32, #tpu.memory_space<vmem>>, vector<16xf32>,
        %min3A_779 = arith.minimumf %scan3A_770, %get3A_778 : vector<16xf32>
        %mul3A_780 = arith.constant 320 : i32
        %mul3A_781 = arith.muli %scan3A_769, %mul3A_780 : i32
        %add3A_782 = arith.constant 160 : i32
        %add3A_783 = arith.addi %mul3A_781, %add3A_782 : i32
        %mul3A_784 = arith.constant 16 : i32
        %mul3A_785 = arith.muli %scan3A_697, %mul3A_784 : i32
        %add3A_786 = arith.addi %add3A_783, %mul3A_785 : i32
        %get3A_787 = arith.index_cast %add3A_786 : i32 to index
        %get3A_788 = tpu.vector_load %arg8[%get3A_787] {strides = array<i32>} : memref<5120xf32, #tpu.memory_space<vmem>>, vector<16xf32>,
        %max3A_789 = arith.maximumf %scan3A_771, %get3A_788 : vector<16xf32>
        scf.yield %min3A_779, %max3A_789 : vector<16xf32>, vector<16xf32>
      }
      %scan3A_703 = arith.constant 16 : i32
      %swap3A_704 = arith.constant 0 : index
      %swap3A_705 = tpu.vector_load %arg7[%swap3A_704] {strides = array<i32>} : memref<320xf32, #tpu.memory_space<vmem>>, vector<16xf32>,
      tpu.vector_store %arg7[%swap3A_704], %scan3A_702#0 {strides = array<i32>} : memref<320xf32, #tpu.memory_space<vmem>>, vector<16xf32>,
      %xor3A = arith.constant 1 : i32
      %xor3A_706 = vector.broadcast %xor3A : i32 to vector<16xi32>
      %xor3A_707 = arith.xori %iota3A, %xor3A_706 : vector<16xi32>
      %gather3A = tpu.vector_load_idx %arg7[%xor3A_707] : memref<320xf32, #tpu.memory_space<vmem>>[vector<16xi32>], vector<16xf32>,
      %min3A = arith.minimumf %scan3A_702#0, %gather3A : vector<16xf32>
      %swap3A_708 = arith.constant 0 : index
      %swap3A_709 = tpu.vector_load %arg7[%swap3A_708] {strides = array<i32>} : memref<320xf32, #tpu.memory_space<vmem>>, vector<16xf32>,
      tpu.vector_store %arg7[%swap3A_708], %min3A {strides = array<i32>} : memref<320xf32, #tpu.memory_space<vmem>>, vector<16xf32>,
      %xor3A_710 = arith.constant 2 : i32
      %xor3A_711 = vector.broadcast %xor3A_710 : i32 to vector<16xi32>
      %xor3A_712 = arith.xori %iota3A, %xor3A_711 : vector<16xi32>
      %gather3A_713 = tpu.vector_load_idx %arg7[%xor3A_712] : memref<320xf32, #tpu.memory_space<vmem>>[vector<16xi32>], vector<16xf32>,
      %min3A_714 = arith.minimumf %min3A, %gather3A_713 : vector<16xf32>
      %swap3A_715 = arith.constant 0 : index
      %swap3A_716 = tpu.vector_load %arg7[%swap3A_715] {strides = array<i32>} : memref<320xf32, #tpu.memory_space<vmem>>, vector<16xf32>,
      tpu.vector_store %arg7[%swap3A_715], %min3A_714 {strides = array<i32>} : memref<320xf32, #tpu.memory_space<vmem>>, vector<16xf32>,
      %xor3A_717 = arith.constant 4 : i32
      %xor3A_718 = vector.broadcast %xor3A_717 : i32 to vector<16xi32>
      %xor3A_719 = arith.xori %iota3A, %xor3A_718 : vector<16xi32>
      %gather3A_720 = tpu.vector_load_idx %arg7[%xor3A_719] : memref<320xf32, #tpu.memory_space<vmem>>[vector<16xi32>], vector<16xf32>,
      %min3A_721 = arith.minimumf %min3A_714, %gather3A_720 : vector<16xf32>
      %swap3A_722 = arith.constant 0 : index
      %swap3A_723 = tpu.vector_load %arg7[%swap3A_722] {strides = array<i32>} : memref<320xf32, #tpu.memory_space<vmem>>, vector<16xf32>,
      tpu.vector_store %arg7[%swap3A_722], %min3A_721 {strides = array<i32>} : memref<320xf32, #tpu.memory_space<vmem>>, vector<16xf32>,
      %xor3A_724 = arith.constant 8 : i32
      %xor3A_725 = vector.broadcast %xor3A_724 : i32 to vector<16xi32>
      %xor3A_726 = arith.xori %iota3A, %xor3A_725 : vector<16xi32>
      %gather3A_727 = tpu.vector_load_idx %arg7[%xor3A_726] : memref<320xf32, #tpu.memory_space<vmem>>[vector<16xi32>], vector<16xf32>,
      %min3A_728 = arith.minimumf %min3A_721, %gather3A_727 : vector<16xf32>
      %swap3A_729 = arith.constant 0 : index
      %swap3A_730 = tpu.vector_load %arg7[%swap3A_729] {strides = array<i32>} : memref<320xf32, #tpu.memory_space<vmem>>, vector<16xf32>,
      tpu.vector_store %arg7[%swap3A_729], %scan3A_702#1 {strides = array<i32>} : memref<320xf32, #tpu.memory_space<vmem>>, vector<16xf32>,
      %xor3A_731 = arith.constant 1 : i32
      %xor3A_732 = vector.broadcast %xor3A_731 : i32 to vector<16xi32>
      %xor3A_733 = arith.xori %iota3A, %xor3A_732 : vector<16xi32>
      %gather3A_734 = tpu.vector_load_idx %arg7[%xor3A_733] : memref<320xf32, #tpu.memory_space<vmem>>[vector<16xi32>], vector<16xf32>,
      %max3A = arith.maximumf %scan3A_702#1, %gather3A_734 : vector<16xf32>
      %swap3A_735 = arith.constant 0 : index
      %swap3A_736 = tpu.vector_load %arg7[%swap3A_735] {strides = array<i32>} : memref<320xf32, #tpu.memory_space<vmem>>, vector<16xf32>,
      tpu.vector_store %arg7[%swap3A_735], %max3A {strides = array<i32>} : memref<320xf32, #tpu.memory_space<vmem>>, vector<16xf32>,
      %xor3A_737 = arith.constant 2 : i32
      %xor3A_738 = vector.broadcast %xor3A_737 : i32 to vector<16xi32>
      %xor3A_739 = arith.xori %iota3A, %xor3A_738 : vector<16xi32>
      %gather3A_740 = tpu.vector_load_idx %arg7[%xor3A_739] : memref<320xf32, #tpu.memory_space<vmem>>[vector<16xi32>], vector<16xf32>,
      %max3A_741 = arith.maximumf %max3A, %gather3A_740 : vector<16xf32>
      %swap3A_742 = arith.constant 0 : index
      %swap3A_743 = tpu.vector_load %arg7[%swap3A_742] {strides = array<i32>} : memref<320xf32, #tpu.memory_space<vmem>>, vector<16xf32>,
      tpu.vector_store %arg7[%swap3A_742], %max3A_741 {strides = array<i32>} : memref<320xf32, #tpu.memory_space<vmem>>, vector<16xf32>,
      %xor3A_744 = arith.constant 4 : i32
      %xor3A_745 = vector.broadcast %xor3A_744 : i32 to vector<16xi32>
      %xor3A_746 = arith.xori %iota3A, %xor3A_745 : vector<16xi32>
      %gather3A_747 = tpu.vector_load_idx %arg7[%xor3A_746] : memref<320xf32, #tpu.memory_space<vmem>>[vector<16xi32>], vector<16xf32>,
      %max3A_748 = arith.maximumf %max3A_741, %gather3A_747 : vector<16xf32>
      %swap3A_749 = arith.constant 0 : index
      %swap3A_750 = tpu.vector_load %arg7[%swap3A_749] {strides = array<i32>} : memref<320xf32, #tpu.memory_space<vmem>>, vector<16xf32>,
      tpu.vector_store %arg7[%swap3A_749], %max3A_748 {strides = array<i32>} : memref<320xf32, #tpu.memory_space<vmem>>, vector<16xf32>,
      %xor3A_751 = arith.constant 8 : i32
      %xor3A_752 = vector.broadcast %xor3A_751 : i32 to vector<16xi32>
      %xor3A_753 = arith.xori %iota3A, %xor3A_752 : vector<16xi32>
      %gather3A_754 = tpu.vector_load_idx %arg7[%xor3A_753] : memref<320xf32, #tpu.memory_space<vmem>>[vector<16xi32>], vector<16xf32>,
      %max3A_755 = arith.maximumf %max3A_748, %gather3A_754 : vector<16xf32>
      %mul3A_756 = arith.constant 16 : i32
      %mul3A_757 = arith.muli %scan3A_697, %mul3A_756 : i32
      %swap3A_758 = arith.index_cast %mul3A_757 : i32 to index
      %swap3A_759 = tpu.vector_load %arg10[%swap3A_758] {strides = array<i32>} : memref<160xf32, #tpu.memory_space<vmem>>, vector<16xf32>,
      tpu.vector_store %arg10[%swap3A_758], %min3A_728 {strides = array<i32>} : memref<160xf32, #tpu.memory_space<vmem>>, vector<16xf32>,
      %sub3A = arith.subf %max3A_755, %min3A_728 : vector<16xf32>
      %max3A_760 = arith.constant 1.000000e-10 : f32
      %max3A_761 = vector.broadcast %max3A_760 : f32 to vector<16xf32>
      %max3A_762 = arith.maximumf %sub3A, %max3A_761 : vector<16xf32>
      %div3A = arith.constant 6.400000e+01 : f32
      %div3A_763 = vector.broadcast %div3A : f32 to vector<16xf32>
      %div3A_764 = arith.divf %div3A_763, %max3A_762 : vector<16xf32>
      %mul3A_765 = arith.constant 16 : i32
      %mul3A_766 = arith.muli %scan3A_697, %mul3A_765 : i32
      %swap3A_767 = arith.index_cast %mul3A_766 : i32 to index
      %swap3A_768 = tpu.vector_load %arg11[%swap3A_767] {strides = array<i32>} : memref<160xf32, #tpu.memory_space<vmem>>, vector<16xf32>,
      tpu.vector_store %arg11[%swap3A_767], %div3A_764 {strides = array<i32>} : memref<160xf32, #tpu.memory_space<vmem>>, vector<16xf32>,
    }
    %scan3A_183 = arith.constant 10 : i32
    %scan3A_184 = arith.constant 0 : i32
    %scan3A_185 = arith.constant 0 : i32
    %scan3A_186 = arith.constant 10 : i32
    %scan3A_187 = arith.addi %scan3A_185, %scan3A_186 : i32
    %scan3A_188 = arith.constant 1 : i32
    scf.for %scan3A_697 = %scan3A_185 to %scan3A_187 step %scan3A_188  : i32 {
      %mul3A_698 = arith.constant 16 : i32
      %mul3A_699 = arith.muli %scan3A_697, %mul3A_698 : i32
      %get3A_700 = arith.index_cast %mul3A_699 : i32 to index
      %get3A_701 = tpu.vector_load %arg10[%get3A_700] {strides = array<i32>} : memref<160xf32, #tpu.memory_space<vmem>>, vector<16xf32>,
      %mul3A_702 = arith.constant 16 : i32
      %mul3A_703 = arith.muli %scan3A_697, %mul3A_702 : i32
      %get3A_704 = arith.index_cast %mul3A_703 : i32 to index
      %get3A_705 = tpu.vector_load %arg11[%get3A_704] {strides = array<i32>} : memref<160xf32, #tpu.memory_space<vmem>>, vector<16xf32>,
      %mul3A_706 = arith.constant 64 : i32
      %mul3A_707 = arith.muli %scan3A_697, %mul3A_706 : i32
      %parallel_loop3A_708 = arith.constant 0 : i32
      %parallel_loop3A_709 = arith.constant 64 : i32
      %parallel_loop3A_710 = arith.constant 1 : i32
      scf.for %parallel_loop3A_711 = %parallel_loop3A_708 to %parallel_loop3A_709 step %parallel_loop3A_710  : i32 {
        %parallel_loop3A_712 = arith.constant 16 : i32
        %parallel_loop3A_713 = arith.muli %parallel_loop3A_711, %parallel_loop3A_712 : i32
        %parallel_loop3A_714 = arith.constant 1024 : i32
        %parallel_loop3A_715 = arith.muli %scan3A_697, %parallel_loop3A_714 : i32
        %parallel_loop3A_716 = arith.addi %parallel_loop3A_715, %parallel_loop3A_713 : i32
        %parallel_loop3A_717 = arith.index_cast %parallel_loop3A_716 : i32 to index
        %parallel_loop3A_718 = tpu.vector_load %arg4[%parallel_loop3A_717] {strides = array<i32>} : memref<10240xf32, #tpu.memory_space<vmem>>, vector<16xf32>,
        %parallel_loop3A_719 = arith.index_cast %parallel_loop3A_713 : i32 to index
        %parallel_loop3A_720 = tpu.vector_load %arg5[%parallel_loop3A_719] {strides = array<i32>} : memref<1024xf32, #tpu.memory_space<vmem>>, vector<16xf32>,
        %parallel_loop3A_721 = arith.subf %parallel_loop3A_718, %get3A_701 : vector<16xf32>
        %parallel_loop3A_722 = arith.mulf %parallel_loop3A_721, %get3A_705 : vector<16xf32>
        %parallel_loop3A_723 = arith.fptosi %parallel_loop3A_722 : vector<16xf32> to vector<16xi32>
        %parallel_loop3A_724 = arith.constant 63 : i32
        %parallel_loop3A_725 = vector.broadcast %parallel_loop3A_724 : i32 to vector<16xi32>
        %parallel_loop3A_726 = arith.minsi %parallel_loop3A_723, %parallel_loop3A_725 : vector<16xi32>
        %parallel_loop3A_727 = vector.broadcast %mul3A_707 : i32 to vector<16xi32>
        %parallel_loop3A_728 = arith.addi %parallel_loop3A_726, %parallel_loop3A_727 : vector<16xi32>
        %parallel_loop3A_729 = arith.constant 4.8828125E-4 : f32
        %parallel_loop3A_730 = vector.broadcast %parallel_loop3A_729 : f32 to vector<16xf32>
        %parallel_loop3A_731 = arith.mulf %parallel_loop3A_720, %parallel_loop3A_730 : vector<16xf32>
        %parallel_loop3A_732 = arith.constant 1.000000e+00 : f32
        %parallel_loop3A_733 = vector.broadcast %parallel_loop3A_732 : f32 to vector<16xf32>
        %parallel_loop3A_734 = arith.addf %parallel_loop3A_733, %parallel_loop3A_731 : vector<16xf32>
        tpu.vector_store_idx %arg6[%parallel_loop3A_728], %parallel_loop3A_734 {add = true} : memref<1280xf32, #tpu.memory_space<vmem>>[vector<16xi32>], vector<16xf32>,
      } {sc.loop_unroll_factor = 8 : i64, sc.parallel_access}
    }
    %scan3A_189 = arith.constant 10 : i32
    %parallel_loop3A_190 = arith.constant 0 : i32
    %parallel_loop3A_191 = arith.constant 40 : i32
    %parallel_loop3A_192 = arith.constant 1 : i32
    scf.for %parallel_loop3A_697 = %parallel_loop3A_190 to %parallel_loop3A_191 step %parallel_loop3A_192  : i32 {
      %parallel_loop3A_698 = arith.constant 16 : i32
      %parallel_loop3A_699 = arith.muli %parallel_loop3A_697, %parallel_loop3A_698 : i32
      %parallel_loop3A_700 = arith.index_cast %parallel_loop3A_699 : i32 to index
      %parallel_loop3A_701 = tpu.vector_load %arg6[%parallel_loop3A_700] {strides = array<i32>} : memref<1280xf32, #tpu.memory_space<vmem>>, vector<16xf32>,
      %parallel_loop3A_702 = arith.fptosi %parallel_loop3A_701 : vector<16xf32> to vector<16xi32>
      %parallel_loop3A_703 = arith.sitofp %parallel_loop3A_702 : vector<16xi32> to vector<16xf32>
      %parallel_loop3A_704 = arith.constant 16 : i32
      %parallel_loop3A_705 = arith.muli %parallel_loop3A_697, %parallel_loop3A_704 : i32
      %parallel_loop3A_706 = arith.index_cast %parallel_loop3A_705 : i32 to index
      %parallel_loop3A_707 = tpu.vector_load %arg6[%parallel_loop3A_706] {strides = array<i32>} : memref<1280xf32, #tpu.memory_space<vmem>>, vector<16xf32>,
      tpu.vector_store %arg6[%parallel_loop3A_706], %parallel_loop3A_703 {strides = array<i32>} : memref<1280xf32, #tpu.memory_space<vmem>>, vector<16xf32>,
      %parallel_loop3A_708 = arith.subf %parallel_loop3A_701, %parallel_loop3A_703 : vector<16xf32>
      %parallel_loop3A_709 = arith.constant 2.048000e+03 : f32
      %parallel_loop3A_710 = vector.broadcast %parallel_loop3A_709 : f32 to vector<16xf32>
      %parallel_loop3A_711 = arith.mulf %parallel_loop3A_708, %parallel_loop3A_710 : vector<16xf32>
      %parallel_loop3A_712 = arith.constant 16 : i32
      %parallel_loop3A_713 = arith.muli %parallel_loop3A_697, %parallel_loop3A_712 : i32
      %parallel_loop3A_714 = arith.constant 640 : i32
      %parallel_loop3A_715 = arith.addi %parallel_loop3A_714, %parallel_loop3A_713 : i32
      %parallel_loop3A_716 = arith.index_cast %parallel_loop3A_715 : i32 to index
      %parallel_loop3A_717 = tpu.vector_load %arg6[%parallel_loop3A_716] {strides = array<i32>} : memref<1280xf32, #tpu.memory_space<vmem>>, vector<16xf32>,
      tpu.vector_store %arg6[%parallel_loop3A_716], %parallel_loop3A_711 {strides = array<i32>} : memref<1280xf32, #tpu.memory_space<vmem>>, vector<16xf32>,
    } {sc.loop_unroll_factor = 4 : i64, sc.parallel_access}
    %mul3A_193 = arith.constant 1280 : i32
    %mul3A_194 = arith.muli %arg1, %mul3A_193 : i32
    "tpu.region"() ({
      %run_scoped3A = tpu.sem_alloc : memref<!tpu.dma_semaphore, #tpu.memory_space<semaphore_mem>>
      %dma_start3A_697 = tpu.memref_slice %arg13[%mul3A_194] : memref<20480xf32, #tpu.memory_space<vmem_shared>> -> memref<1280xf32, #tpu.memory_space<vmem_shared>>
      %dma_start3A_698 = tpu.memref_slice %arg13[%mul3A_194] : memref<20480xf32, #tpu.memory_space<vmem_shared>> -> memref<1280xf32, #tpu.memory_space<vmem_shared>>
      tpu.enqueue_dma source(%arg6 : memref<1280xf32, #tpu.memory_space<vmem>>) target(%dma_start3A_698 : memref<1280xf32, #tpu.memory_space<vmem_shared>>) target_semaphore(%run_scoped3A : memref<!tpu.dma_semaphore, #tpu.memory_space<semaphore_mem>>)
      %dma_wait3A_699 = tpu.memref_slice %arg13[%mul3A_194] : memref<20480xf32, #tpu.memory_space<vmem_shared>> -> memref<1280xf32, #tpu.memory_space<vmem_shared>>
      %dma_wait3A_700 = tpu.memref_slice %arg13[%mul3A_194] : memref<20480xf32, #tpu.memory_space<vmem_shared>> -> memref<1280xf32, #tpu.memory_space<vmem_shared>>
      tpu.wait_dma2 semaphore(%run_scoped3A : memref<!tpu.dma_semaphore, #tpu.memory_space<semaphore_mem>>) src(%arg6 : memref<1280xf32, #tpu.memory_space<vmem>>) dst(%dma_wait3A_700 : memref<1280xf32, #tpu.memory_space<vmem_shared>>)
      tpu.yield
    }) : () -> ()
    %barrier3A_195 = arith.constant 0 : index
    tpu.barrier barrier_id(%barrier3A_195)
    %mul3A_196 = arith.constant 80 : i32
    %mul3A_197 = arith.muli %arg1, %mul3A_196 : i32
    %add3A_198 = arith.constant 0 : i32
    %add3A_199 = arith.addi %add3A_198, %mul3A_197 : i32
    %dma_start3A_200 = arith.constant 0 : i32
    %dma_start3A_201 = tpu.memref_slice %arg9[%dma_start3A_200] : memref<1280xf32, #tpu.memory_space<vmem>> -> memref<80xf32, #tpu.memory_space<vmem>>
    %dma_start3A_202 = tpu.memref_slice %arg13[%add3A_199] : memref<20480xf32, #tpu.memory_space<vmem_shared>> -> memref<80xf32, #tpu.memory_space<vmem_shared>>
    %dma_start3A_203 = arith.constant 0 : i32
    %dma_start3A_204 = tpu.memref_slice %arg9[%dma_start3A_203] : memref<1280xf32, #tpu.memory_space<vmem>> -> memref<80xf32, #tpu.memory_space<vmem>>
    %dma_start3A_205 = tpu.memref_slice %arg13[%add3A_199] : memref<20480xf32, #tpu.memory_space<vmem_shared>> -> memref<80xf32, #tpu.memory_space<vmem_shared>>
    tpu.enqueue_dma source(%dma_start3A_205 : memref<80xf32, #tpu.memory_space<vmem_shared>>) target(%dma_start3A_204 : memref<80xf32, #tpu.memory_space<vmem>>) target_semaphore(%arg14 : memref<!tpu.dma_semaphore, #tpu.memory_space<semaphore_mem>>)
    %mul3A_206 = arith.constant 80 : i32
    %mul3A_207 = arith.muli %arg1, %mul3A_206 : i32
    %add3A_208 = arith.constant 1280 : i32
    %add3A_209 = arith.addi %add3A_208, %mul3A_207 : i32
    %dma_start3A_210 = arith.constant 80 : i32
    %dma_start3A_211 = tpu.memref_slice %arg9[%dma_start3A_210] : memref<1280xf32, #tpu.memory_space<vmem>> -> memref<80xf32, #tpu.memory_space<vmem>>
    %dma_start3A_212 = tpu.memref_slice %arg13[%add3A_209] : memref<20480xf32, #tpu.memory_space<vmem_shared>> -> memref<80xf32, #tpu.memory_space<vmem_shared>>
    %dma_start3A_213 = arith.constant 80 : i32
    %dma_start3A_214 = tpu.memref_slice %arg9[%dma_start3A_213] : memref<1280xf32, #tpu.memory_space<vmem>> -> memref<80xf32, #tpu.memory_space<vmem>>
    %dma_start3A_215 = tpu.memref_slice %arg13[%add3A_209] : memref<20480xf32, #tpu.memory_space<vmem_shared>> -> memref<80xf32, #tpu.memory_space<vmem_shared>>
    tpu.enqueue_dma source(%dma_start3A_215 : memref<80xf32, #tpu.memory_space<vmem_shared>>) target(%dma_start3A_214 : memref<80xf32, #tpu.memory_space<vmem>>) target_semaphore(%arg14 : memref<!tpu.dma_semaphore, #tpu.memory_space<semaphore_mem>>)
    %mul3A_216 = arith.constant 80 : i32
    %mul3A_217 = arith.muli %arg1, %mul3A_216 : i32
    %add3A_218 = arith.constant 2560 : i32
    %add3A_219 = arith.addi %add3A_218, %mul3A_217 : i32
    %dma_start3A_220 = arith.constant 160 : i32
    %dma_start3A_221 = tpu.memref_slice %arg9[%dma_start3A_220] : memref<1280xf32, #tpu.memory_space<vmem>> -> memref<80xf32, #tpu.memory_space<vmem>>
    %dma_start3A_222 = tpu.memref_slice %arg13[%add3A_219] : memref<20480xf32, #tpu.memory_space<vmem_shared>> -> memref<80xf32, #tpu.memory_space<vmem_shared>>
    %dma_start3A_223 = arith.constant 160 : i32
    %dma_start3A_224 = tpu.memref_slice %arg9[%dma_start3A_223] : memref<1280xf32, #tpu.memory_space<vmem>> -> memref<80xf32, #tpu.memory_space<vmem>>
    %dma_start3A_225 = tpu.memref_slice %arg13[%add3A_219] : memref<20480xf32, #tpu.memory_space<vmem_shared>> -> memref<80xf32, #tpu.memory_space<vmem_shared>>
    tpu.enqueue_dma source(%dma_start3A_225 : memref<80xf32, #tpu.memory_space<vmem_shared>>) target(%dma_start3A_224 : memref<80xf32, #tpu.memory_space<vmem>>) target_semaphore(%arg14 : memref<!tpu.dma_semaphore, #tpu.memory_space<semaphore_mem>>)
    %mul3A_226 = arith.constant 80 : i32
    %mul3A_227 = arith.muli %arg1, %mul3A_226 : i32
    %add3A_228 = arith.constant 3840 : i32
    %add3A_229 = arith.addi %add3A_228, %mul3A_227 : i32
    %dma_start3A_230 = arith.constant 240 : i32
    %dma_start3A_231 = tpu.memref_slice %arg9[%dma_start3A_230] : memref<1280xf32, #tpu.memory_space<vmem>> -> memref<80xf32, #tpu.memory_space<vmem>>
    %dma_start3A_232 = tpu.memref_slice %arg13[%add3A_229] : memref<20480xf32, #tpu.memory_space<vmem_shared>> -> memref<80xf32, #tpu.memory_space<vmem_shared>>
    %dma_start3A_233 = arith.constant 240 : i32
    %dma_start3A_234 = tpu.memref_slice %arg9[%dma_start3A_233] : memref<1280xf32, #tpu.memory_space<vmem>> -> memref<80xf32, #tpu.memory_space<vmem>>
    %dma_start3A_235 = tpu.memref_slice %arg13[%add3A_229] : memref<20480xf32, #tpu.memory_space<vmem_shared>> -> memref<80xf32, #tpu.memory_space<vmem_shared>>
    tpu.enqueue_dma source(%dma_start3A_235 : memref<80xf32, #tpu.memory_space<vmem_shared>>) target(%dma_start3A_234 : memref<80xf32, #tpu.memory_space<vmem>>) target_semaphore(%arg14 : memref<!tpu.dma_semaphore, #tpu.memory_space<semaphore_mem>>)
    %mul3A_236 = arith.constant 80 : i32
    %mul3A_237 = arith.muli %arg1, %mul3A_236 : i32
    %add3A_238 = arith.constant 5120 : i32
    %add3A_239 = arith.addi %add3A_238, %mul3A_237 : i32
    %dma_start3A_240 = arith.constant 320 : i32
    %dma_start3A_241 = tpu.memref_slice %arg9[%dma_start3A_240] : memref<1280xf32, #tpu.memory_space<vmem>> -> memref<80xf32, #tpu.memory_space<vmem>>
    %dma_start3A_242 = tpu.memref_slice %arg13[%add3A_239] : memref<20480xf32, #tpu.memory_space<vmem_shared>> -> memref<80xf32, #tpu.memory_space<vmem_shared>>
    %dma_start3A_243 = arith.constant 320 : i32
    %dma_start3A_244 = tpu.memref_slice %arg9[%dma_start3A_243] : memref<1280xf32, #tpu.memory_space<vmem>> -> memref<80xf32, #tpu.memory_space<vmem>>
    %dma_start3A_245 = tpu.memref_slice %arg13[%add3A_239] : memref<20480xf32, #tpu.memory_space<vmem_shared>> -> memref<80xf32, #tpu.memory_space<vmem_shared>>
    tpu.enqueue_dma source(%dma_start3A_245 : memref<80xf32, #tpu.memory_space<vmem_shared>>) target(%dma_start3A_244 : memref<80xf32, #tpu.memory_space<vmem>>) target_semaphore(%arg14 : memref<!tpu.dma_semaphore, #tpu.memory_space<semaphore_mem>>)
    %mul3A_246 = arith.constant 80 : i32
    %mul3A_247 = arith.muli %arg1, %mul3A_246 : i32
    %add3A_248 = arith.constant 6400 : i32
    %add3A_249 = arith.addi %add3A_248, %mul3A_247 : i32
    %dma_start3A_250 = arith.constant 400 : i32
    %dma_start3A_251 = tpu.memref_slice %arg9[%dma_start3A_250] : memref<1280xf32, #tpu.memory_space<vmem>> -> memref<80xf32, #tpu.memory_space<vmem>>
    %dma_start3A_252 = tpu.memref_slice %arg13[%add3A_249] : memref<20480xf32, #tpu.memory_space<vmem_shared>> -> memref<80xf32, #tpu.memory_space<vmem_shared>>
    %dma_start3A_253 = arith.constant 400 : i32
    %dma_start3A_254 = tpu.memref_slice %arg9[%dma_start3A_253] : memref<1280xf32, #tpu.memory_space<vmem>> -> memref<80xf32, #tpu.memory_space<vmem>>
    %dma_start3A_255 = tpu.memref_slice %arg13[%add3A_249] : memref<20480xf32, #tpu.memory_space<vmem_shared>> -> memref<80xf32, #tpu.memory_space<vmem_shared>>
    tpu.enqueue_dma source(%dma_start3A_255 : memref<80xf32, #tpu.memory_space<vmem_shared>>) target(%dma_start3A_254 : memref<80xf32, #tpu.memory_space<vmem>>) target_semaphore(%arg14 : memref<!tpu.dma_semaphore, #tpu.memory_space<semaphore_mem>>)
    %mul3A_256 = arith.constant 80 : i32
    %mul3A_257 = arith.muli %arg1, %mul3A_256 : i32
    %add3A_258 = arith.constant 7680 : i32
    %add3A_259 = arith.addi %add3A_258, %mul3A_257 : i32
    %dma_start3A_260 = arith.constant 480 : i32
    %dma_start3A_261 = tpu.memref_slice %arg9[%dma_start3A_260] : memref<1280xf32, #tpu.memory_space<vmem>> -> memref<80xf32, #tpu.memory_space<vmem>>
    %dma_start3A_262 = tpu.memref_slice %arg13[%add3A_259] : memref<20480xf32, #tpu.memory_space<vmem_shared>> -> memref<80xf32, #tpu.memory_space<vmem_shared>>
    %dma_start3A_263 = arith.constant 480 : i32
    %dma_start3A_264 = tpu.memref_slice %arg9[%dma_start3A_263] : memref<1280xf32, #tpu.memory_space<vmem>> -> memref<80xf32, #tpu.memory_space<vmem>>
    %dma_start3A_265 = tpu.memref_slice %arg13[%add3A_259] : memref<20480xf32, #tpu.memory_space<vmem_shared>> -> memref<80xf32, #tpu.memory_space<vmem_shared>>
    tpu.enqueue_dma source(%dma_start3A_265 : memref<80xf32, #tpu.memory_space<vmem_shared>>) target(%dma_start3A_264 : memref<80xf32, #tpu.memory_space<vmem>>) target_semaphore(%arg14 : memref<!tpu.dma_semaphore, #tpu.memory_space<semaphore_mem>>)
    %mul3A_266 = arith.constant 80 : i32
    %mul3A_267 = arith.muli %arg1, %mul3A_266 : i32
    %add3A_268 = arith.constant 8960 : i32
    %add3A_269 = arith.addi %add3A_268, %mul3A_267 : i32
    %dma_start3A_270 = arith.constant 560 : i32
    %dma_start3A_271 = tpu.memref_slice %arg9[%dma_start3A_270] : memref<1280xf32, #tpu.memory_space<vmem>> -> memref<80xf32, #tpu.memory_space<vmem>>
    %dma_start3A_272 = tpu.memref_slice %arg13[%add3A_269] : memref<20480xf32, #tpu.memory_space<vmem_shared>> -> memref<80xf32, #tpu.memory_space<vmem_shared>>
    %dma_start3A_273 = arith.constant 560 : i32
    %dma_start3A_274 = tpu.memref_slice %arg9[%dma_start3A_273] : memref<1280xf32, #tpu.memory_space<vmem>> -> memref<80xf32, #tpu.memory_space<vmem>>
    %dma_start3A_275 = tpu.memref_slice %arg13[%add3A_269] : memref<20480xf32, #tpu.memory_space<vmem_shared>> -> memref<80xf32, #tpu.memory_space<vmem_shared>>
    tpu.enqueue_dma source(%dma_start3A_275 : memref<80xf32, #tpu.memory_space<vmem_shared>>) target(%dma_start3A_274 : memref<80xf32, #tpu.memory_space<vmem>>) target_semaphore(%arg14 : memref<!tpu.dma_semaphore, #tpu.memory_space<semaphore_mem>>)
    %mul3A_276 = arith.constant 80 : i32
    %mul3A_277 = arith.muli %arg1, %mul3A_276 : i32
    %add3A_278 = arith.constant 10240 : i32
    %add3A_279 = arith.addi %add3A_278, %mul3A_277 : i32
    %dma_start3A_280 = arith.constant 640 : i32
    %dma_start3A_281 = tpu.memref_slice %arg9[%dma_start3A_280] : memref<1280xf32, #tpu.memory_space<vmem>> -> memref<80xf32, #tpu.memory_space<vmem>>
    %dma_start3A_282 = tpu.memref_slice %arg13[%add3A_279] : memref<20480xf32, #tpu.memory_space<vmem_shared>> -> memref<80xf32, #tpu.memory_space<vmem_shared>>
    %dma_start3A_283 = arith.constant 640 : i32
    %dma_start3A_284 = tpu.memref_slice %arg9[%dma_start3A_283] : memref<1280xf32, #tpu.memory_space<vmem>> -> memref<80xf32, #tpu.memory_space<vmem>>
    %dma_start3A_285 = tpu.memref_slice %arg13[%add3A_279] : memref<20480xf32, #tpu.memory_space<vmem_shared>> -> memref<80xf32, #tpu.memory_space<vmem_shared>>
    tpu.enqueue_dma source(%dma_start3A_285 : memref<80xf32, #tpu.memory_space<vmem_shared>>) target(%dma_start3A_284 : memref<80xf32, #tpu.memory_space<vmem>>) target_semaphore(%arg14 : memref<!tpu.dma_semaphore, #tpu.memory_space<semaphore_mem>>)
    %mul3A_286 = arith.constant 80 : i32
    %mul3A_287 = arith.muli %arg1, %mul3A_286 : i32
    %add3A_288 = arith.constant 11520 : i32
    %add3A_289 = arith.addi %add3A_288, %mul3A_287 : i32
    %dma_start3A_290 = arith.constant 720 : i32
    %dma_start3A_291 = tpu.memref_slice %arg9[%dma_start3A_290] : memref<1280xf32, #tpu.memory_space<vmem>> -> memref<80xf32, #tpu.memory_space<vmem>>
    %dma_start3A_292 = tpu.memref_slice %arg13[%add3A_289] : memref<20480xf32, #tpu.memory_space<vmem_shared>> -> memref<80xf32, #tpu.memory_space<vmem_shared>>
    %dma_start3A_293 = arith.constant 720 : i32
    %dma_start3A_294 = tpu.memref_slice %arg9[%dma_start3A_293] : memref<1280xf32, #tpu.memory_space<vmem>> -> memref<80xf32, #tpu.memory_space<vmem>>
    %dma_start3A_295 = tpu.memref_slice %arg13[%add3A_289] : memref<20480xf32, #tpu.memory_space<vmem_shared>> -> memref<80xf32, #tpu.memory_space<vmem_shared>>
    tpu.enqueue_dma source(%dma_start3A_295 : memref<80xf32, #tpu.memory_space<vmem_shared>>) target(%dma_start3A_294 : memref<80xf32, #tpu.memory_space<vmem>>) target_semaphore(%arg14 : memref<!tpu.dma_semaphore, #tpu.memory_space<semaphore_mem>>)
    %mul3A_296 = arith.constant 80 : i32
    %mul3A_297 = arith.muli %arg1, %mul3A_296 : i32
    %add3A_298 = arith.constant 12800 : i32
    %add3A_299 = arith.addi %add3A_298, %mul3A_297 : i32
    %dma_start3A_300 = arith.constant 800 : i32
    %dma_start3A_301 = tpu.memref_slice %arg9[%dma_start3A_300] : memref<1280xf32, #tpu.memory_space<vmem>> -> memref<80xf32, #tpu.memory_space<vmem>>
    %dma_start3A_302 = tpu.memref_slice %arg13[%add3A_299] : memref<20480xf32, #tpu.memory_space<vmem_shared>> -> memref<80xf32, #tpu.memory_space<vmem_shared>>
    %dma_start3A_303 = arith.constant 800 : i32
    %dma_start3A_304 = tpu.memref_slice %arg9[%dma_start3A_303] : memref<1280xf32, #tpu.memory_space<vmem>> -> memref<80xf32, #tpu.memory_space<vmem>>
    %dma_start3A_305 = tpu.memref_slice %arg13[%add3A_299] : memref<20480xf32, #tpu.memory_space<vmem_shared>> -> memref<80xf32, #tpu.memory_space<vmem_shared>>
    tpu.enqueue_dma source(%dma_start3A_305 : memref<80xf32, #tpu.memory_space<vmem_shared>>) target(%dma_start3A_304 : memref<80xf32, #tpu.memory_space<vmem>>) target_semaphore(%arg14 : memref<!tpu.dma_semaphore, #tpu.memory_space<semaphore_mem>>)
    %mul3A_306 = arith.constant 80 : i32
    %mul3A_307 = arith.muli %arg1, %mul3A_306 : i32
    %add3A_308 = arith.constant 14080 : i32
    %add3A_309 = arith.addi %add3A_308, %mul3A_307 : i32
    %dma_start3A_310 = arith.constant 880 : i32
    %dma_start3A_311 = tpu.memref_slice %arg9[%dma_start3A_310] : memref<1280xf32, #tpu.memory_space<vmem>> -> memref<80xf32, #tpu.memory_space<vmem>>
    %dma_start3A_312 = tpu.memref_slice %arg13[%add3A_309] : memref<20480xf32, #tpu.memory_space<vmem_shared>> -> memref<80xf32, #tpu.memory_space<vmem_shared>>
    %dma_start3A_313 = arith.constant 880 : i32
    %dma_start3A_314 = tpu.memref_slice %arg9[%dma_start3A_313] : memref<1280xf32, #tpu.memory_space<vmem>> -> memref<80xf32, #tpu.memory_space<vmem>>
    %dma_start3A_315 = tpu.memref_slice %arg13[%add3A_309] : memref<20480xf32, #tpu.memory_space<vmem_shared>> -> memref<80xf32, #tpu.memory_space<vmem_shared>>
    tpu.enqueue_dma source(%dma_start3A_315 : memref<80xf32, #tpu.memory_space<vmem_shared>>) target(%dma_start3A_314 : memref<80xf32, #tpu.memory_space<vmem>>) target_semaphore(%arg14 : memref<!tpu.dma_semaphore, #tpu.memory_space<semaphore_mem>>)
    %mul3A_316 = arith.constant 80 : i32
    %mul3A_317 = arith.muli %arg1, %mul3A_316 : i32
    %add3A_318 = arith.constant 15360 : i32
    %add3A_319 = arith.addi %add3A_318, %mul3A_317 : i32
    %dma_start3A_320 = arith.constant 960 : i32
    %dma_start3A_321 = tpu.memref_slice %arg9[%dma_start3A_320] : memref<1280xf32, #tpu.memory_space<vmem>> -> memref<80xf32, #tpu.memory_space<vmem>>
    %dma_start3A_322 = tpu.memref_slice %arg13[%add3A_319] : memref<20480xf32, #tpu.memory_space<vmem_shared>> -> memref<80xf32, #tpu.memory_space<vmem_shared>>
    %dma_start3A_323 = arith.constant 960 : i32
    %dma_start3A_324 = tpu.memref_slice %arg9[%dma_start3A_323] : memref<1280xf32, #tpu.memory_space<vmem>> -> memref<80xf32, #tpu.memory_space<vmem>>
    %dma_start3A_325 = tpu.memref_slice %arg13[%add3A_319] : memref<20480xf32, #tpu.memory_space<vmem_shared>> -> memref<80xf32, #tpu.memory_space<vmem_shared>>
    tpu.enqueue_dma source(%dma_start3A_325 : memref<80xf32, #tpu.memory_space<vmem_shared>>) target(%dma_start3A_324 : memref<80xf32, #tpu.memory_space<vmem>>) target_semaphore(%arg14 : memref<!tpu.dma_semaphore, #tpu.memory_space<semaphore_mem>>)
    %mul3A_326 = arith.constant 80 : i32
    %mul3A_327 = arith.muli %arg1, %mul3A_326 : i32
    %add3A_328 = arith.constant 16640 : i32
    %add3A_329 = arith.addi %add3A_328, %mul3A_327 : i32
    %dma_start3A_330 = arith.constant 1040 : i32
    %dma_start3A_331 = tpu.memref_slice %arg9[%dma_start3A_330] : memref<1280xf32, #tpu.memory_space<vmem>> -> memref<80xf32, #tpu.memory_space<vmem>>
    %dma_start3A_332 = tpu.memref_slice %arg13[%add3A_329] : memref<20480xf32, #tpu.memory_space<vmem_shared>> -> memref<80xf32, #tpu.memory_space<vmem_shared>>
    %dma_start3A_333 = arith.constant 1040 : i32
    %dma_start3A_334 = tpu.memref_slice %arg9[%dma_start3A_333] : memref<1280xf32, #tpu.memory_space<vmem>> -> memref<80xf32, #tpu.memory_space<vmem>>
    %dma_start3A_335 = tpu.memref_slice %arg13[%add3A_329] : memref<20480xf32, #tpu.memory_space<vmem_shared>> -> memref<80xf32, #tpu.memory_space<vmem_shared>>
    tpu.enqueue_dma source(%dma_start3A_335 : memref<80xf32, #tpu.memory_space<vmem_shared>>) target(%dma_start3A_334 : memref<80xf32, #tpu.memory_space<vmem>>) target_semaphore(%arg14 : memref<!tpu.dma_semaphore, #tpu.memory_space<semaphore_mem>>)
    %mul3A_336 = arith.constant 80 : i32
    %mul3A_337 = arith.muli %arg1, %mul3A_336 : i32
    %add3A_338 = arith.constant 17920 : i32
    %add3A_339 = arith.addi %add3A_338, %mul3A_337 : i32
    %dma_start3A_340 = arith.constant 1120 : i32
    %dma_start3A_341 = tpu.memref_slice %arg9[%dma_start3A_340] : memref<1280xf32, #tpu.memory_space<vmem>> -> memref<80xf32, #tpu.memory_space<vmem>>
    %dma_start3A_342 = tpu.memref_slice %arg13[%add3A_339] : memref<20480xf32, #tpu.memory_space<vmem_shared>> -> memref<80xf32, #tpu.memory_space<vmem_shared>>
    %dma_start3A_343 = arith.constant 1120 : i32
    %dma_start3A_344 = tpu.memref_slice %arg9[%dma_start3A_343] : memref<1280xf32, #tpu.memory_space<vmem>> -> memref<80xf32, #tpu.memory_space<vmem>>
    %dma_start3A_345 = tpu.memref_slice %arg13[%add3A_339] : memref<20480xf32, #tpu.memory_space<vmem_shared>> -> memref<80xf32, #tpu.memory_space<vmem_shared>>
    tpu.enqueue_dma source(%dma_start3A_345 : memref<80xf32, #tpu.memory_space<vmem_shared>>) target(%dma_start3A_344 : memref<80xf32, #tpu.memory_space<vmem>>) target_semaphore(%arg14 : memref<!tpu.dma_semaphore, #tpu.memory_space<semaphore_mem>>)
    %mul3A_346 = arith.constant 80 : i32
    %mul3A_347 = arith.muli %arg1, %mul3A_346 : i32
    %add3A_348 = arith.constant 19200 : i32
    %add3A_349 = arith.addi %add3A_348, %mul3A_347 : i32
    %dma_start3A_350 = arith.constant 1200 : i32
    %dma_start3A_351 = tpu.memref_slice %arg9[%dma_start3A_350] : memref<1280xf32, #tpu.memory_space<vmem>> -> memref<80xf32, #tpu.memory_space<vmem>>
    %dma_start3A_352 = tpu.memref_slice %arg13[%add3A_349] : memref<20480xf32, #tpu.memory_space<vmem_shared>> -> memref<80xf32, #tpu.memory_space<vmem_shared>>
    %dma_start3A_353 = arith.constant 1200 : i32
    %dma_start3A_354 = tpu.memref_slice %arg9[%dma_start3A_353] : memref<1280xf32, #tpu.memory_space<vmem>> -> memref<80xf32, #tpu.memory_space<vmem>>
    %dma_start3A_355 = tpu.memref_slice %arg13[%add3A_349] : memref<20480xf32, #tpu.memory_space<vmem_shared>> -> memref<80xf32, #tpu.memory_space<vmem_shared>>
    tpu.enqueue_dma source(%dma_start3A_355 : memref<80xf32, #tpu.memory_space<vmem_shared>>) target(%dma_start3A_354 : memref<80xf32, #tpu.memory_space<vmem>>) target_semaphore(%arg14 : memref<!tpu.dma_semaphore, #tpu.memory_space<semaphore_mem>>)
    %dma_wait3A_356 = arith.constant 0 : i32
    %dma_wait3A_357 = tpu.memref_slice %arg9[%dma_wait3A_356] : memref<1280xf32, #tpu.memory_space<vmem>> -> memref<80xf32, #tpu.memory_space<vmem>>
    %dma_wait3A_358 = tpu.memref_slice %arg13[%add3A_199] : memref<20480xf32, #tpu.memory_space<vmem_shared>> -> memref<80xf32, #tpu.memory_space<vmem_shared>>
    %dma_wait3A_359 = arith.constant 0 : i32
    %dma_wait3A_360 = tpu.memref_slice %arg9[%dma_wait3A_359] : memref<1280xf32, #tpu.memory_space<vmem>> -> memref<80xf32, #tpu.memory_space<vmem>>
    %dma_wait3A_361 = tpu.memref_slice %arg13[%add3A_199] : memref<20480xf32, #tpu.memory_space<vmem_shared>> -> memref<80xf32, #tpu.memory_space<vmem_shared>>
    tpu.wait_dma2 semaphore(%arg14 : memref<!tpu.dma_semaphore, #tpu.memory_space<semaphore_mem>>) src(%dma_wait3A_361 : memref<80xf32, #tpu.memory_space<vmem_shared>>) dst(%dma_wait3A_360 : memref<80xf32, #tpu.memory_space<vmem>>)
    %dma_wait3A_362 = arith.constant 80 : i32
    %dma_wait3A_363 = tpu.memref_slice %arg9[%dma_wait3A_362] : memref<1280xf32, #tpu.memory_space<vmem>> -> memref<80xf32, #tpu.memory_space<vmem>>
    %dma_wait3A_364 = tpu.memref_slice %arg13[%add3A_209] : memref<20480xf32, #tpu.memory_space<vmem_shared>> -> memref<80xf32, #tpu.memory_space<vmem_shared>>
    %dma_wait3A_365 = arith.constant 80 : i32
    %dma_wait3A_366 = tpu.memref_slice %arg9[%dma_wait3A_365] : memref<1280xf32, #tpu.memory_space<vmem>> -> memref<80xf32, #tpu.memory_space<vmem>>
    %dma_wait3A_367 = tpu.memref_slice %arg13[%add3A_209] : memref<20480xf32, #tpu.memory_space<vmem_shared>> -> memref<80xf32, #tpu.memory_space<vmem_shared>>
    tpu.wait_dma2 semaphore(%arg14 : memref<!tpu.dma_semaphore, #tpu.memory_space<semaphore_mem>>) src(%dma_wait3A_367 : memref<80xf32, #tpu.memory_space<vmem_shared>>) dst(%dma_wait3A_366 : memref<80xf32, #tpu.memory_space<vmem>>)
    %dma_wait3A_368 = arith.constant 160 : i32
    %dma_wait3A_369 = tpu.memref_slice %arg9[%dma_wait3A_368] : memref<1280xf32, #tpu.memory_space<vmem>> -> memref<80xf32, #tpu.memory_space<vmem>>
    %dma_wait3A_370 = tpu.memref_slice %arg13[%add3A_219] : memref<20480xf32, #tpu.memory_space<vmem_shared>> -> memref<80xf32, #tpu.memory_space<vmem_shared>>
    %dma_wait3A_371 = arith.constant 160 : i32
    %dma_wait3A_372 = tpu.memref_slice %arg9[%dma_wait3A_371] : memref<1280xf32, #tpu.memory_space<vmem>> -> memref<80xf32, #tpu.memory_space<vmem>>
    %dma_wait3A_373 = tpu.memref_slice %arg13[%add3A_219] : memref<20480xf32, #tpu.memory_space<vmem_shared>> -> memref<80xf32, #tpu.memory_space<vmem_shared>>
    tpu.wait_dma2 semaphore(%arg14 : memref<!tpu.dma_semaphore, #tpu.memory_space<semaphore_mem>>) src(%dma_wait3A_373 : memref<80xf32, #tpu.memory_space<vmem_shared>>) dst(%dma_wait3A_372 : memref<80xf32, #tpu.memory_space<vmem>>)
    %dma_wait3A_374 = arith.constant 240 : i32
    %dma_wait3A_375 = tpu.memref_slice %arg9[%dma_wait3A_374] : memref<1280xf32, #tpu.memory_space<vmem>> -> memref<80xf32, #tpu.memory_space<vmem>>
    %dma_wait3A_376 = tpu.memref_slice %arg13[%add3A_229] : memref<20480xf32, #tpu.memory_space<vmem_shared>> -> memref<80xf32, #tpu.memory_space<vmem_shared>>
    %dma_wait3A_377 = arith.constant 240 : i32
    %dma_wait3A_378 = tpu.memref_slice %arg9[%dma_wait3A_377] : memref<1280xf32, #tpu.memory_space<vmem>> -> memref<80xf32, #tpu.memory_space<vmem>>
    %dma_wait3A_379 = tpu.memref_slice %arg13[%add3A_229] : memref<20480xf32, #tpu.memory_space<vmem_shared>> -> memref<80xf32, #tpu.memory_space<vmem_shared>>
    tpu.wait_dma2 semaphore(%arg14 : memref<!tpu.dma_semaphore, #tpu.memory_space<semaphore_mem>>) src(%dma_wait3A_379 : memref<80xf32, #tpu.memory_space<vmem_shared>>) dst(%dma_wait3A_378 : memref<80xf32, #tpu.memory_space<vmem>>)
    %dma_wait3A_380 = arith.constant 320 : i32
    %dma_wait3A_381 = tpu.memref_slice %arg9[%dma_wait3A_380] : memref<1280xf32, #tpu.memory_space<vmem>> -> memref<80xf32, #tpu.memory_space<vmem>>
    %dma_wait3A_382 = tpu.memref_slice %arg13[%add3A_239] : memref<20480xf32, #tpu.memory_space<vmem_shared>> -> memref<80xf32, #tpu.memory_space<vmem_shared>>
    %dma_wait3A_383 = arith.constant 320 : i32
    %dma_wait3A_384 = tpu.memref_slice %arg9[%dma_wait3A_383] : memref<1280xf32, #tpu.memory_space<vmem>> -> memref<80xf32, #tpu.memory_space<vmem>>
    %dma_wait3A_385 = tpu.memref_slice %arg13[%add3A_239] : memref<20480xf32, #tpu.memory_space<vmem_shared>> -> memref<80xf32, #tpu.memory_space<vmem_shared>>
    tpu.wait_dma2 semaphore(%arg14 : memref<!tpu.dma_semaphore, #tpu.memory_space<semaphore_mem>>) src(%dma_wait3A_385 : memref<80xf32, #tpu.memory_space<vmem_shared>>) dst(%dma_wait3A_384 : memref<80xf32, #tpu.memory_space<vmem>>)
    %dma_wait3A_386 = arith.constant 400 : i32
    %dma_wait3A_387 = tpu.memref_slice %arg9[%dma_wait3A_386] : memref<1280xf32, #tpu.memory_space<vmem>> -> memref<80xf32, #tpu.memory_space<vmem>>
    %dma_wait3A_388 = tpu.memref_slice %arg13[%add3A_249] : memref<20480xf32, #tpu.memory_space<vmem_shared>> -> memref<80xf32, #tpu.memory_space<vmem_shared>>
    %dma_wait3A_389 = arith.constant 400 : i32
    %dma_wait3A_390 = tpu.memref_slice %arg9[%dma_wait3A_389] : memref<1280xf32, #tpu.memory_space<vmem>> -> memref<80xf32, #tpu.memory_space<vmem>>
    %dma_wait3A_391 = tpu.memref_slice %arg13[%add3A_249] : memref<20480xf32, #tpu.memory_space<vmem_shared>> -> memref<80xf32, #tpu.memory_space<vmem_shared>>
    tpu.wait_dma2 semaphore(%arg14 : memref<!tpu.dma_semaphore, #tpu.memory_space<semaphore_mem>>) src(%dma_wait3A_391 : memref<80xf32, #tpu.memory_space<vmem_shared>>) dst(%dma_wait3A_390 : memref<80xf32, #tpu.memory_space<vmem>>)
    %dma_wait3A_392 = arith.constant 480 : i32
    %dma_wait3A_393 = tpu.memref_slice %arg9[%dma_wait3A_392] : memref<1280xf32, #tpu.memory_space<vmem>> -> memref<80xf32, #tpu.memory_space<vmem>>
    %dma_wait3A_394 = tpu.memref_slice %arg13[%add3A_259] : memref<20480xf32, #tpu.memory_space<vmem_shared>> -> memref<80xf32, #tpu.memory_space<vmem_shared>>
    %dma_wait3A_395 = arith.constant 480 : i32
    %dma_wait3A_396 = tpu.memref_slice %arg9[%dma_wait3A_395] : memref<1280xf32, #tpu.memory_space<vmem>> -> memref<80xf32, #tpu.memory_space<vmem>>
    %dma_wait3A_397 = tpu.memref_slice %arg13[%add3A_259] : memref<20480xf32, #tpu.memory_space<vmem_shared>> -> memref<80xf32, #tpu.memory_space<vmem_shared>>
    tpu.wait_dma2 semaphore(%arg14 : memref<!tpu.dma_semaphore, #tpu.memory_space<semaphore_mem>>) src(%dma_wait3A_397 : memref<80xf32, #tpu.memory_space<vmem_shared>>) dst(%dma_wait3A_396 : memref<80xf32, #tpu.memory_space<vmem>>)
    %dma_wait3A_398 = arith.constant 560 : i32
    %dma_wait3A_399 = tpu.memref_slice %arg9[%dma_wait3A_398] : memref<1280xf32, #tpu.memory_space<vmem>> -> memref<80xf32, #tpu.memory_space<vmem>>
    %dma_wait3A_400 = tpu.memref_slice %arg13[%add3A_269] : memref<20480xf32, #tpu.memory_space<vmem_shared>> -> memref<80xf32, #tpu.memory_space<vmem_shared>>
    %dma_wait3A_401 = arith.constant 560 : i32
    %dma_wait3A_402 = tpu.memref_slice %arg9[%dma_wait3A_401] : memref<1280xf32, #tpu.memory_space<vmem>> -> memref<80xf32, #tpu.memory_space<vmem>>
    %dma_wait3A_403 = tpu.memref_slice %arg13[%add3A_269] : memref<20480xf32, #tpu.memory_space<vmem_shared>> -> memref<80xf32, #tpu.memory_space<vmem_shared>>
    tpu.wait_dma2 semaphore(%arg14 : memref<!tpu.dma_semaphore, #tpu.memory_space<semaphore_mem>>) src(%dma_wait3A_403 : memref<80xf32, #tpu.memory_space<vmem_shared>>) dst(%dma_wait3A_402 : memref<80xf32, #tpu.memory_space<vmem>>)
    %dma_wait3A_404 = arith.constant 640 : i32
    %dma_wait3A_405 = tpu.memref_slice %arg9[%dma_wait3A_404] : memref<1280xf32, #tpu.memory_space<vmem>> -> memref<80xf32, #tpu.memory_space<vmem>>
    %dma_wait3A_406 = tpu.memref_slice %arg13[%add3A_279] : memref<20480xf32, #tpu.memory_space<vmem_shared>> -> memref<80xf32, #tpu.memory_space<vmem_shared>>
    %dma_wait3A_407 = arith.constant 640 : i32
    %dma_wait3A_408 = tpu.memref_slice %arg9[%dma_wait3A_407] : memref<1280xf32, #tpu.memory_space<vmem>> -> memref<80xf32, #tpu.memory_space<vmem>>
    %dma_wait3A_409 = tpu.memref_slice %arg13[%add3A_279] : memref<20480xf32, #tpu.memory_space<vmem_shared>> -> memref<80xf32, #tpu.memory_space<vmem_shared>>
    tpu.wait_dma2 semaphore(%arg14 : memref<!tpu.dma_semaphore, #tpu.memory_space<semaphore_mem>>) src(%dma_wait3A_409 : memref<80xf32, #tpu.memory_space<vmem_shared>>) dst(%dma_wait3A_408 : memref<80xf32, #tpu.memory_space<vmem>>)
    %dma_wait3A_410 = arith.constant 720 : i32
    %dma_wait3A_411 = tpu.memref_slice %arg9[%dma_wait3A_410] : memref<1280xf32, #tpu.memory_space<vmem>> -> memref<80xf32, #tpu.memory_space<vmem>>
    %dma_wait3A_412 = tpu.memref_slice %arg13[%add3A_289] : memref<20480xf32, #tpu.memory_space<vmem_shared>> -> memref<80xf32, #tpu.memory_space<vmem_shared>>
    %dma_wait3A_413 = arith.constant 720 : i32
    %dma_wait3A_414 = tpu.memref_slice %arg9[%dma_wait3A_413] : memref<1280xf32, #tpu.memory_space<vmem>> -> memref<80xf32, #tpu.memory_space<vmem>>
    %dma_wait3A_415 = tpu.memref_slice %arg13[%add3A_289] : memref<20480xf32, #tpu.memory_space<vmem_shared>> -> memref<80xf32, #tpu.memory_space<vmem_shared>>
    tpu.wait_dma2 semaphore(%arg14 : memref<!tpu.dma_semaphore, #tpu.memory_space<semaphore_mem>>) src(%dma_wait3A_415 : memref<80xf32, #tpu.memory_space<vmem_shared>>) dst(%dma_wait3A_414 : memref<80xf32, #tpu.memory_space<vmem>>)
    %dma_wait3A_416 = arith.constant 800 : i32
    %dma_wait3A_417 = tpu.memref_slice %arg9[%dma_wait3A_416] : memref<1280xf32, #tpu.memory_space<vmem>> -> memref<80xf32, #tpu.memory_space<vmem>>
    %dma_wait3A_418 = tpu.memref_slice %arg13[%add3A_299] : memref<20480xf32, #tpu.memory_space<vmem_shared>> -> memref<80xf32, #tpu.memory_space<vmem_shared>>
    %dma_wait3A_419 = arith.constant 800 : i32
    %dma_wait3A_420 = tpu.memref_slice %arg9[%dma_wait3A_419] : memref<1280xf32, #tpu.memory_space<vmem>> -> memref<80xf32, #tpu.memory_space<vmem>>
    %dma_wait3A_421 = tpu.memref_slice %arg13[%add3A_299] : memref<20480xf32, #tpu.memory_space<vmem_shared>> -> memref<80xf32, #tpu.memory_space<vmem_shared>>
    tpu.wait_dma2 semaphore(%arg14 : memref<!tpu.dma_semaphore, #tpu.memory_space<semaphore_mem>>) src(%dma_wait3A_421 : memref<80xf32, #tpu.memory_space<vmem_shared>>) dst(%dma_wait3A_420 : memref<80xf32, #tpu.memory_space<vmem>>)
    %dma_wait3A_422 = arith.constant 880 : i32
    %dma_wait3A_423 = tpu.memref_slice %arg9[%dma_wait3A_422] : memref<1280xf32, #tpu.memory_space<vmem>> -> memref<80xf32, #tpu.memory_space<vmem>>
    %dma_wait3A_424 = tpu.memref_slice %arg13[%add3A_309] : memref<20480xf32, #tpu.memory_space<vmem_shared>> -> memref<80xf32, #tpu.memory_space<vmem_shared>>
    %dma_wait3A_425 = arith.constant 880 : i32
    %dma_wait3A_426 = tpu.memref_slice %arg9[%dma_wait3A_425] : memref<1280xf32, #tpu.memory_space<vmem>> -> memref<80xf32, #tpu.memory_space<vmem>>
    %dma_wait3A_427 = tpu.memref_slice %arg13[%add3A_309] : memref<20480xf32, #tpu.memory_space<vmem_shared>> -> memref<80xf32, #tpu.memory_space<vmem_shared>>
    tpu.wait_dma2 semaphore(%arg14 : memref<!tpu.dma_semaphore, #tpu.memory_space<semaphore_mem>>) src(%dma_wait3A_427 : memref<80xf32, #tpu.memory_space<vmem_shared>>) dst(%dma_wait3A_426 : memref<80xf32, #tpu.memory_space<vmem>>)
    %dma_wait3A_428 = arith.constant 960 : i32
    %dma_wait3A_429 = tpu.memref_slice %arg9[%dma_wait3A_428] : memref<1280xf32, #tpu.memory_space<vmem>> -> memref<80xf32, #tpu.memory_space<vmem>>
    %dma_wait3A_430 = tpu.memref_slice %arg13[%add3A_319] : memref<20480xf32, #tpu.memory_space<vmem_shared>> -> memref<80xf32, #tpu.memory_space<vmem_shared>>
    %dma_wait3A_431 = arith.constant 960 : i32
    %dma_wait3A_432 = tpu.memref_slice %arg9[%dma_wait3A_431] : memref<1280xf32, #tpu.memory_space<vmem>> -> memref<80xf32, #tpu.memory_space<vmem>>
    %dma_wait3A_433 = tpu.memref_slice %arg13[%add3A_319] : memref<20480xf32, #tpu.memory_space<vmem_shared>> -> memref<80xf32, #tpu.memory_space<vmem_shared>>
    tpu.wait_dma2 semaphore(%arg14 : memref<!tpu.dma_semaphore, #tpu.memory_space<semaphore_mem>>) src(%dma_wait3A_433 : memref<80xf32, #tpu.memory_space<vmem_shared>>) dst(%dma_wait3A_432 : memref<80xf32, #tpu.memory_space<vmem>>)
    %dma_wait3A_434 = arith.constant 1040 : i32
    %dma_wait3A_435 = tpu.memref_slice %arg9[%dma_wait3A_434] : memref<1280xf32, #tpu.memory_space<vmem>> -> memref<80xf32, #tpu.memory_space<vmem>>
    %dma_wait3A_436 = tpu.memref_slice %arg13[%add3A_329] : memref<20480xf32, #tpu.memory_space<vmem_shared>> -> memref<80xf32, #tpu.memory_space<vmem_shared>>
    %dma_wait3A_437 = arith.constant 1040 : i32
    %dma_wait3A_438 = tpu.memref_slice %arg9[%dma_wait3A_437] : memref<1280xf32, #tpu.memory_space<vmem>> -> memref<80xf32, #tpu.memory_space<vmem>>
    %dma_wait3A_439 = tpu.memref_slice %arg13[%add3A_329] : memref<20480xf32, #tpu.memory_space<vmem_shared>> -> memref<80xf32, #tpu.memory_space<vmem_shared>>
    tpu.wait_dma2 semaphore(%arg14 : memref<!tpu.dma_semaphore, #tpu.memory_space<semaphore_mem>>) src(%dma_wait3A_439 : memref<80xf32, #tpu.memory_space<vmem_shared>>) dst(%dma_wait3A_438 : memref<80xf32, #tpu.memory_space<vmem>>)
    %dma_wait3A_440 = arith.constant 1120 : i32
    %dma_wait3A_441 = tpu.memref_slice %arg9[%dma_wait3A_440] : memref<1280xf32, #tpu.memory_space<vmem>> -> memref<80xf32, #tpu.memory_space<vmem>>
    %dma_wait3A_442 = tpu.memref_slice %arg13[%add3A_339] : memref<20480xf32, #tpu.memory_space<vmem_shared>> -> memref<80xf32, #tpu.memory_space<vmem_shared>>
    %dma_wait3A_443 = arith.constant 1120 : i32
    %dma_wait3A_444 = tpu.memref_slice %arg9[%dma_wait3A_443] : memref<1280xf32, #tpu.memory_space<vmem>> -> memref<80xf32, #tpu.memory_space<vmem>>
    %dma_wait3A_445 = tpu.memref_slice %arg13[%add3A_339] : memref<20480xf32, #tpu.memory_space<vmem_shared>> -> memref<80xf32, #tpu.memory_space<vmem_shared>>
    tpu.wait_dma2 semaphore(%arg14 : memref<!tpu.dma_semaphore, #tpu.memory_space<semaphore_mem>>) src(%dma_wait3A_445 : memref<80xf32, #tpu.memory_space<vmem_shared>>) dst(%dma_wait3A_444 : memref<80xf32, #tpu.memory_space<vmem>>)
    %dma_wait3A_446 = arith.constant 1200 : i32
    %dma_wait3A_447 = tpu.memref_slice %arg9[%dma_wait3A_446] : memref<1280xf32, #tpu.memory_space<vmem>> -> memref<80xf32, #tpu.memory_space<vmem>>
    %dma_wait3A_448 = tpu.memref_slice %arg13[%add3A_349] : memref<20480xf32, #tpu.memory_space<vmem_shared>> -> memref<80xf32, #tpu.memory_space<vmem_shared>>
    %dma_wait3A_449 = arith.constant 1200 : i32
    %dma_wait3A_450 = tpu.memref_slice %arg9[%dma_wait3A_449] : memref<1280xf32, #tpu.memory_space<vmem>> -> memref<80xf32, #tpu.memory_space<vmem>>
    %dma_wait3A_451 = tpu.memref_slice %arg13[%add3A_349] : memref<20480xf32, #tpu.memory_space<vmem_shared>> -> memref<80xf32, #tpu.memory_space<vmem_shared>>
    tpu.wait_dma2 semaphore(%arg14 : memref<!tpu.dma_semaphore, #tpu.memory_space<semaphore_mem>>) src(%dma_wait3A_451 : memref<80xf32, #tpu.memory_space<vmem_shared>>) dst(%dma_wait3A_450 : memref<80xf32, #tpu.memory_space<vmem>>)
    %get3A = arith.constant 0 : index
    %get3A_452 = tpu.vector_load %arg9[%get3A] {strides = array<i32>} : memref<1280xf32, #tpu.memory_space<vmem>>, vector<16xf32>,
    %get3A_453 = arith.constant 80 : index
    %get3A_454 = tpu.vector_load %arg9[%get3A_453] {strides = array<i32>} : memref<1280xf32, #tpu.memory_space<vmem>>, vector<16xf32>,
    %add3A_455 = arith.addf %get3A_452, %get3A_454 : vector<16xf32>
    %get3A_456 = arith.constant 160 : index
    %get3A_457 = tpu.vector_load %arg9[%get3A_456] {strides = array<i32>} : memref<1280xf32, #tpu.memory_space<vmem>>, vector<16xf32>,
    %add3A_458 = arith.addf %add3A_455, %get3A_457 : vector<16xf32>
    %get3A_459 = arith.constant 240 : index
    %get3A_460 = tpu.vector_load %arg9[%get3A_459] {strides = array<i32>} : memref<1280xf32, #tpu.memory_space<vmem>>, vector<16xf32>,
    %add3A_461 = arith.addf %add3A_458, %get3A_460 : vector<16xf32>
    %get3A_462 = arith.constant 320 : index
    %get3A_463 = tpu.vector_load %arg9[%get3A_462] {strides = array<i32>} : memref<1280xf32, #tpu.memory_space<vmem>>, vector<16xf32>,
    %add3A_464 = arith.addf %add3A_461, %get3A_463 : vector<16xf32>
    %get3A_465 = arith.constant 400 : index
    %get3A_466 = tpu.vector_load %arg9[%get3A_465] {strides = array<i32>} : memref<1280xf32, #tpu.memory_space<vmem>>, vector<16xf32>,
    %add3A_467 = arith.addf %add3A_464, %get3A_466 : vector<16xf32>
    %get3A_468 = arith.constant 480 : index
    %get3A_469 = tpu.vector_load %arg9[%get3A_468] {strides = array<i32>} : memref<1280xf32, #tpu.memory_space<vmem>>, vector<16xf32>,
    %add3A_470 = arith.addf %add3A_467, %get3A_469 : vector<16xf32>
    %get3A_471 = arith.constant 560 : index
    %get3A_472 = tpu.vector_load %arg9[%get3A_471] {strides = array<i32>} : memref<1280xf32, #tpu.memory_space<vmem>>, vector<16xf32>,
    %add3A_473 = arith.addf %add3A_470, %get3A_472 : vector<16xf32>
    %get3A_474 = arith.constant 640 : index
    %get3A_475 = tpu.vector_load %arg9[%get3A_474] {strides = array<i32>} : memref<1280xf32, #tpu.memory_space<vmem>>, vector<16xf32>,
    %add3A_476 = arith.addf %add3A_473, %get3A_475 : vector<16xf32>
    %get3A_477 = arith.constant 720 : index
    %get3A_478 = tpu.vector_load %arg9[%get3A_477] {strides = array<i32>} : memref<1280xf32, #tpu.memory_space<vmem>>, vector<16xf32>,
    %add3A_479 = arith.addf %add3A_476, %get3A_478 : vector<16xf32>
    %get3A_480 = arith.constant 800 : index
    %get3A_481 = tpu.vector_load %arg9[%get3A_480] {strides = array<i32>} : memref<1280xf32, #tpu.memory_space<vmem>>, vector<16xf32>,
    %add3A_482 = arith.addf %add3A_479, %get3A_481 : vector<16xf32>
    %get3A_483 = arith.constant 880 : index
    %get3A_484 = tpu.vector_load %arg9[%get3A_483] {strides = array<i32>} : memref<1280xf32, #tpu.memory_space<vmem>>, vector<16xf32>,
    %add3A_485 = arith.addf %add3A_482, %get3A_484 : vector<16xf32>
    %get3A_486 = arith.constant 960 : index
    %get3A_487 = tpu.vector_load %arg9[%get3A_486] {strides = array<i32>} : memref<1280xf32, #tpu.memory_space<vmem>>, vector<16xf32>,
    %add3A_488 = arith.addf %add3A_485, %get3A_487 : vector<16xf32>
    %get3A_489 = arith.constant 1040 : index
    %get3A_490 = tpu.vector_load %arg9[%get3A_489] {strides = array<i32>} : memref<1280xf32, #tpu.memory_space<vmem>>, vector<16xf32>,
    %add3A_491 = arith.addf %add3A_488, %get3A_490 : vector<16xf32>
    %get3A_492 = arith.constant 1120 : index
    %get3A_493 = tpu.vector_load %arg9[%get3A_492] {strides = array<i32>} : memref<1280xf32, #tpu.memory_space<vmem>>, vector<16xf32>,
    %add3A_494 = arith.addf %add3A_491, %get3A_493 : vector<16xf32>
    %get3A_495 = arith.constant 1200 : index
    %get3A_496 = tpu.vector_load %arg9[%get3A_495] {strides = array<i32>} : memref<1280xf32, #tpu.memory_space<vmem>>, vector<16xf32>,
    %add3A_497 = arith.addf %add3A_494, %get3A_496 : vector<16xf32>
    %swap3A = arith.constant 0 : index
    %swap3A_498 = tpu.vector_load %arg6[%swap3A] {strides = array<i32>} : memref<1280xf32, #tpu.memory_space<vmem>>, vector<16xf32>,
    tpu.vector_store %arg6[%swap3A], %add3A_497 {strides = array<i32>} : memref<1280xf32, #tpu.memory_space<vmem>>, vector<16xf32>,
    %get3A_499 = arith.constant 16 : index
    %get3A_500 = tpu.vector_load %arg9[%get3A_499] {strides = array<i32>} : memref<1280xf32, #tpu.memory_space<vmem>>, vector<16xf32>,
    %get3A_501 = arith.constant 96 : index
    %get3A_502 = tpu.vector_load %arg9[%get3A_501] {strides = array<i32>} : memref<1280xf32, #tpu.memory_space<vmem>>, vector<16xf32>,
    %add3A_503 = arith.addf %get3A_500, %get3A_502 : vector<16xf32>
    %get3A_504 = arith.constant 176 : index
    %get3A_505 = tpu.vector_load %arg9[%get3A_504] {strides = array<i32>} : memref<1280xf32, #tpu.memory_space<vmem>>, vector<16xf32>,
    %add3A_506 = arith.addf %add3A_503, %get3A_505 : vector<16xf32>
    %get3A_507 = arith.constant 256 : index
    %get3A_508 = tpu.vector_load %arg9[%get3A_507] {strides = array<i32>} : memref<1280xf32, #tpu.memory_space<vmem>>, vector<16xf32>,
    %add3A_509 = arith.addf %add3A_506, %get3A_508 : vector<16xf32>
    %get3A_510 = arith.constant 336 : index
    %get3A_511 = tpu.vector_load %arg9[%get3A_510] {strides = array<i32>} : memref<1280xf32, #tpu.memory_space<vmem>>, vector<16xf32>,
    %add3A_512 = arith.addf %add3A_509, %get3A_511 : vector<16xf32>
    %get3A_513 = arith.constant 416 : index
    %get3A_514 = tpu.vector_load %arg9[%get3A_513] {strides = array<i32>} : memref<1280xf32, #tpu.memory_space<vmem>>, vector<16xf32>,
    %add3A_515 = arith.addf %add3A_512, %get3A_514 : vector<16xf32>
    %get3A_516 = arith.constant 496 : index
    %get3A_517 = tpu.vector_load %arg9[%get3A_516] {strides = array<i32>} : memref<1280xf32, #tpu.memory_space<vmem>>, vector<16xf32>,
    %add3A_518 = arith.addf %add3A_515, %get3A_517 : vector<16xf32>
    %get3A_519 = arith.constant 576 : index
    %get3A_520 = tpu.vector_load %arg9[%get3A_519] {strides = array<i32>} : memref<1280xf32, #tpu.memory_space<vmem>>, vector<16xf32>,
    %add3A_521 = arith.addf %add3A_518, %get3A_520 : vector<16xf32>
    %get3A_522 = arith.constant 656 : index
    %get3A_523 = tpu.vector_load %arg9[%get3A_522] {strides = array<i32>} : memref<1280xf32, #tpu.memory_space<vmem>>, vector<16xf32>,
    %add3A_524 = arith.addf %add3A_521, %get3A_523 : vector<16xf32>
    %get3A_525 = arith.constant 736 : index
    %get3A_526 = tpu.vector_load %arg9[%get3A_525] {strides = array<i32>} : memref<1280xf32, #tpu.memory_space<vmem>>, vector<16xf32>,
    %add3A_527 = arith.addf %add3A_524, %get3A_526 : vector<16xf32>
    %get3A_528 = arith.constant 816 : index
    %get3A_529 = tpu.vector_load %arg9[%get3A_528] {strides = array<i32>} : memref<1280xf32, #tpu.memory_space<vmem>>, vector<16xf32>,
    %add3A_530 = arith.addf %add3A_527, %get3A_529 : vector<16xf32>
    %get3A_531 = arith.constant 896 : index
    %get3A_532 = tpu.vector_load %arg9[%get3A_531] {strides = array<i32>} : memref<1280xf32, #tpu.memory_space<vmem>>, vector<16xf32>,
    %add3A_533 = arith.addf %add3A_530, %get3A_532 : vector<16xf32>
    %get3A_534 = arith.constant 976 : index
    %get3A_535 = tpu.vector_load %arg9[%get3A_534] {strides = array<i32>} : memref<1280xf32, #tpu.memory_space<vmem>>, vector<16xf32>,
    %add3A_536 = arith.addf %add3A_533, %get3A_535 : vector<16xf32>
    %get3A_537 = arith.constant 1056 : index
    %get3A_538 = tpu.vector_load %arg9[%get3A_537] {strides = array<i32>} : memref<1280xf32, #tpu.memory_space<vmem>>, vector<16xf32>,
    %add3A_539 = arith.addf %add3A_536, %get3A_538 : vector<16xf32>
    %get3A_540 = arith.constant 1136 : index
    %get3A_541 = tpu.vector_load %arg9[%get3A_540] {strides = array<i32>} : memref<1280xf32, #tpu.memory_space<vmem>>, vector<16xf32>,
    %add3A_542 = arith.addf %add3A_539, %get3A_541 : vector<16xf32>
    %get3A_543 = arith.constant 1216 : index
    %get3A_544 = tpu.vector_load %arg9[%get3A_543] {strides = array<i32>} : memref<1280xf32, #tpu.memory_space<vmem>>, vector<16xf32>,
    %add3A_545 = arith.addf %add3A_542, %get3A_544 : vector<16xf32>
    %swap3A_546 = arith.constant 16 : index
    %swap3A_547 = tpu.vector_load %arg6[%swap3A_546] {strides = array<i32>} : memref<1280xf32, #tpu.memory_space<vmem>>, vector<16xf32>,
    tpu.vector_store %arg6[%swap3A_546], %add3A_545 {strides = array<i32>} : memref<1280xf32, #tpu.memory_space<vmem>>, vector<16xf32>,
    %get3A_548 = arith.constant 32 : index
    %get3A_549 = tpu.vector_load %arg9[%get3A_548] {strides = array<i32>} : memref<1280xf32, #tpu.memory_space<vmem>>, vector<16xf32>,
    %get3A_550 = arith.constant 112 : index
    %get3A_551 = tpu.vector_load %arg9[%get3A_550] {strides = array<i32>} : memref<1280xf32, #tpu.memory_space<vmem>>, vector<16xf32>,
    %add3A_552 = arith.addf %get3A_549, %get3A_551 : vector<16xf32>
    %get3A_553 = arith.constant 192 : index
    %get3A_554 = tpu.vector_load %arg9[%get3A_553] {strides = array<i32>} : memref<1280xf32, #tpu.memory_space<vmem>>, vector<16xf32>,
    %add3A_555 = arith.addf %add3A_552, %get3A_554 : vector<16xf32>
    %get3A_556 = arith.constant 272 : index
    %get3A_557 = tpu.vector_load %arg9[%get3A_556] {strides = array<i32>} : memref<1280xf32, #tpu.memory_space<vmem>>, vector<16xf32>,
    %add3A_558 = arith.addf %add3A_555, %get3A_557 : vector<16xf32>
    %get3A_559 = arith.constant 352 : index
    %get3A_560 = tpu.vector_load %arg9[%get3A_559] {strides = array<i32>} : memref<1280xf32, #tpu.memory_space<vmem>>, vector<16xf32>,
    %add3A_561 = arith.addf %add3A_558, %get3A_560 : vector<16xf32>
    %get3A_562 = arith.constant 432 : index
    %get3A_563 = tpu.vector_load %arg9[%get3A_562] {strides = array<i32>} : memref<1280xf32, #tpu.memory_space<vmem>>, vector<16xf32>,
    %add3A_564 = arith.addf %add3A_561, %get3A_563 : vector<16xf32>
    %get3A_565 = arith.constant 512 : index
    %get3A_566 = tpu.vector_load %arg9[%get3A_565] {strides = array<i32>} : memref<1280xf32, #tpu.memory_space<vmem>>, vector<16xf32>,
    %add3A_567 = arith.addf %add3A_564, %get3A_566 : vector<16xf32>
    %get3A_568 = arith.constant 592 : index
    %get3A_569 = tpu.vector_load %arg9[%get3A_568] {strides = array<i32>} : memref<1280xf32, #tpu.memory_space<vmem>>, vector<16xf32>,
    %add3A_570 = arith.addf %add3A_567, %get3A_569 : vector<16xf32>
    %get3A_571 = arith.constant 672 : index
    %get3A_572 = tpu.vector_load %arg9[%get3A_571] {strides = array<i32>} : memref<1280xf32, #tpu.memory_space<vmem>>, vector<16xf32>,
    %add3A_573 = arith.addf %add3A_570, %get3A_572 : vector<16xf32>
    %get3A_574 = arith.constant 752 : index
    %get3A_575 = tpu.vector_load %arg9[%get3A_574] {strides = array<i32>} : memref<1280xf32, #tpu.memory_space<vmem>>, vector<16xf32>,
    %add3A_576 = arith.addf %add3A_573, %get3A_575 : vector<16xf32>
    %get3A_577 = arith.constant 832 : index
    %get3A_578 = tpu.vector_load %arg9[%get3A_577] {strides = array<i32>} : memref<1280xf32, #tpu.memory_space<vmem>>, vector<16xf32>,
    %add3A_579 = arith.addf %add3A_576, %get3A_578 : vector<16xf32>
    %get3A_580 = arith.constant 912 : index
    %get3A_581 = tpu.vector_load %arg9[%get3A_580] {strides = array<i32>} : memref<1280xf32, #tpu.memory_space<vmem>>, vector<16xf32>,
    %add3A_582 = arith.addf %add3A_579, %get3A_581 : vector<16xf32>
    %get3A_583 = arith.constant 992 : index
    %get3A_584 = tpu.vector_load %arg9[%get3A_583] {strides = array<i32>} : memref<1280xf32, #tpu.memory_space<vmem>>, vector<16xf32>,
    %add3A_585 = arith.addf %add3A_582, %get3A_584 : vector<16xf32>
    %get3A_586 = arith.constant 1072 : index
    %get3A_587 = tpu.vector_load %arg9[%get3A_586] {strides = array<i32>} : memref<1280xf32, #tpu.memory_space<vmem>>, vector<16xf32>,
    %add3A_588 = arith.addf %add3A_585, %get3A_587 : vector<16xf32>
    %get3A_589 = arith.constant 1152 : index
    %get3A_590 = tpu.vector_load %arg9[%get3A_589] {strides = array<i32>} : memref<1280xf32, #tpu.memory_space<vmem>>, vector<16xf32>,
    %add3A_591 = arith.addf %add3A_588, %get3A_590 : vector<16xf32>
    %get3A_592 = arith.constant 1232 : index
    %get3A_593 = tpu.vector_load %arg9[%get3A_592] {strides = array<i32>} : memref<1280xf32, #tpu.memory_space<vmem>>, vector<16xf32>,
    %add3A_594 = arith.addf %add3A_591, %get3A_593 : vector<16xf32>
    %swap3A_595 = arith.constant 32 : index
    %swap3A_596 = tpu.vector_load %arg6[%swap3A_595] {strides = array<i32>} : memref<1280xf32, #tpu.memory_space<vmem>>, vector<16xf32>,
    tpu.vector_store %arg6[%swap3A_595], %add3A_594 {strides = array<i32>} : memref<1280xf32, #tpu.memory_space<vmem>>, vector<16xf32>,
    %get3A_597 = arith.constant 48 : index
    %get3A_598 = tpu.vector_load %arg9[%get3A_597] {strides = array<i32>} : memref<1280xf32, #tpu.memory_space<vmem>>, vector<16xf32>,
    %get3A_599 = arith.constant 128 : index
    %get3A_600 = tpu.vector_load %arg9[%get3A_599] {strides = array<i32>} : memref<1280xf32, #tpu.memory_space<vmem>>, vector<16xf32>,
    %add3A_601 = arith.addf %get3A_598, %get3A_600 : vector<16xf32>
    %get3A_602 = arith.constant 208 : index
    %get3A_603 = tpu.vector_load %arg9[%get3A_602] {strides = array<i32>} : memref<1280xf32, #tpu.memory_space<vmem>>, vector<16xf32>,
    %add3A_604 = arith.addf %add3A_601, %get3A_603 : vector<16xf32>
    %get3A_605 = arith.constant 288 : index
    %get3A_606 = tpu.vector_load %arg9[%get3A_605] {strides = array<i32>} : memref<1280xf32, #tpu.memory_space<vmem>>, vector<16xf32>,
    %add3A_607 = arith.addf %add3A_604, %get3A_606 : vector<16xf32>
    %get3A_608 = arith.constant 368 : index
    %get3A_609 = tpu.vector_load %arg9[%get3A_608] {strides = array<i32>} : memref<1280xf32, #tpu.memory_space<vmem>>, vector<16xf32>,
    %add3A_610 = arith.addf %add3A_607, %get3A_609 : vector<16xf32>
    %get3A_611 = arith.constant 448 : index
    %get3A_612 = tpu.vector_load %arg9[%get3A_611] {strides = array<i32>} : memref<1280xf32, #tpu.memory_space<vmem>>, vector<16xf32>,
    %add3A_613 = arith.addf %add3A_610, %get3A_612 : vector<16xf32>
    %get3A_614 = arith.constant 528 : index
    %get3A_615 = tpu.vector_load %arg9[%get3A_614] {strides = array<i32>} : memref<1280xf32, #tpu.memory_space<vmem>>, vector<16xf32>,
    %add3A_616 = arith.addf %add3A_613, %get3A_615 : vector<16xf32>
    %get3A_617 = arith.constant 608 : index
    %get3A_618 = tpu.vector_load %arg9[%get3A_617] {strides = array<i32>} : memref<1280xf32, #tpu.memory_space<vmem>>, vector<16xf32>,
    %add3A_619 = arith.addf %add3A_616, %get3A_618 : vector<16xf32>
    %get3A_620 = arith.constant 688 : index
    %get3A_621 = tpu.vector_load %arg9[%get3A_620] {strides = array<i32>} : memref<1280xf32, #tpu.memory_space<vmem>>, vector<16xf32>,
    %add3A_622 = arith.addf %add3A_619, %get3A_621 : vector<16xf32>
    %get3A_623 = arith.constant 768 : index
    %get3A_624 = tpu.vector_load %arg9[%get3A_623] {strides = array<i32>} : memref<1280xf32, #tpu.memory_space<vmem>>, vector<16xf32>,
    %add3A_625 = arith.addf %add3A_622, %get3A_624 : vector<16xf32>
    %get3A_626 = arith.constant 848 : index
    %get3A_627 = tpu.vector_load %arg9[%get3A_626] {strides = array<i32>} : memref<1280xf32, #tpu.memory_space<vmem>>, vector<16xf32>,
    %add3A_628 = arith.addf %add3A_625, %get3A_627 : vector<16xf32>
    %get3A_629 = arith.constant 928 : index
    %get3A_630 = tpu.vector_load %arg9[%get3A_629] {strides = array<i32>} : memref<1280xf32, #tpu.memory_space<vmem>>, vector<16xf32>,
    %add3A_631 = arith.addf %add3A_628, %get3A_630 : vector<16xf32>
    %get3A_632 = arith.constant 1008 : index
    %get3A_633 = tpu.vector_load %arg9[%get3A_632] {strides = array<i32>} : memref<1280xf32, #tpu.memory_space<vmem>>, vector<16xf32>,
    %add3A_634 = arith.addf %add3A_631, %get3A_633 : vector<16xf32>
    %get3A_635 = arith.constant 1088 : index
    %get3A_636 = tpu.vector_load %arg9[%get3A_635] {strides = array<i32>} : memref<1280xf32, #tpu.memory_space<vmem>>, vector<16xf32>,
    %add3A_637 = arith.addf %add3A_634, %get3A_636 : vector<16xf32>
    %get3A_638 = arith.constant 1168 : index
    %get3A_639 = tpu.vector_load %arg9[%get3A_638] {strides = array<i32>} : memref<1280xf32, #tpu.memory_space<vmem>>, vector<16xf32>,
    %add3A_640 = arith.addf %add3A_637, %get3A_639 : vector<16xf32>
    %get3A_641 = arith.constant 1248 : index
    %get3A_642 = tpu.vector_load %arg9[%get3A_641] {strides = array<i32>} : memref<1280xf32, #tpu.memory_space<vmem>>, vector<16xf32>,
    %add3A_643 = arith.addf %add3A_640, %get3A_642 : vector<16xf32>
    %swap3A_644 = arith.constant 48 : index
    %swap3A_645 = tpu.vector_load %arg6[%swap3A_644] {strides = array<i32>} : memref<1280xf32, #tpu.memory_space<vmem>>, vector<16xf32>,
    tpu.vector_store %arg6[%swap3A_644], %add3A_643 {strides = array<i32>} : memref<1280xf32, #tpu.memory_space<vmem>>, vector<16xf32>,
    %get3A_646 = arith.constant 64 : index
    %get3A_647 = tpu.vector_load %arg9[%get3A_646] {strides = array<i32>} : memref<1280xf32, #tpu.memory_space<vmem>>, vector<16xf32>,
    %get3A_648 = arith.constant 144 : index
    %get3A_649 = tpu.vector_load %arg9[%get3A_648] {strides = array<i32>} : memref<1280xf32, #tpu.memory_space<vmem>>, vector<16xf32>,
    %add3A_650 = arith.addf %get3A_647, %get3A_649 : vector<16xf32>
    %get3A_651 = arith.constant 224 : index
    %get3A_652 = tpu.vector_load %arg9[%get3A_651] {strides = array<i32>} : memref<1280xf32, #tpu.memory_space<vmem>>, vector<16xf32>,
    %add3A_653 = arith.addf %add3A_650, %get3A_652 : vector<16xf32>
    %get3A_654 = arith.constant 304 : index
    %get3A_655 = tpu.vector_load %arg9[%get3A_654] {strides = array<i32>} : memref<1280xf32, #tpu.memory_space<vmem>>, vector<16xf32>,
    %add3A_656 = arith.addf %add3A_653, %get3A_655 : vector<16xf32>
    %get3A_657 = arith.constant 384 : index
    %get3A_658 = tpu.vector_load %arg9[%get3A_657] {strides = array<i32>} : memref<1280xf32, #tpu.memory_space<vmem>>, vector<16xf32>,
    %add3A_659 = arith.addf %add3A_656, %get3A_658 : vector<16xf32>
    %get3A_660 = arith.constant 464 : index
    %get3A_661 = tpu.vector_load %arg9[%get3A_660] {strides = array<i32>} : memref<1280xf32, #tpu.memory_space<vmem>>, vector<16xf32>,
    %add3A_662 = arith.addf %add3A_659, %get3A_661 : vector<16xf32>
    %get3A_663 = arith.constant 544 : index
    %get3A_664 = tpu.vector_load %arg9[%get3A_663] {strides = array<i32>} : memref<1280xf32, #tpu.memory_space<vmem>>, vector<16xf32>,
    %add3A_665 = arith.addf %add3A_662, %get3A_664 : vector<16xf32>
    %get3A_666 = arith.constant 624 : index
    %get3A_667 = tpu.vector_load %arg9[%get3A_666] {strides = array<i32>} : memref<1280xf32, #tpu.memory_space<vmem>>, vector<16xf32>,
    %add3A_668 = arith.addf %add3A_665, %get3A_667 : vector<16xf32>
    %get3A_669 = arith.constant 704 : index
    %get3A_670 = tpu.vector_load %arg9[%get3A_669] {strides = array<i32>} : memref<1280xf32, #tpu.memory_space<vmem>>, vector<16xf32>,
    %add3A_671 = arith.addf %add3A_668, %get3A_670 : vector<16xf32>
    %get3A_672 = arith.constant 784 : index
    %get3A_673 = tpu.vector_load %arg9[%get3A_672] {strides = array<i32>} : memref<1280xf32, #tpu.memory_space<vmem>>, vector<16xf32>,
    %add3A_674 = arith.addf %add3A_671, %get3A_673 : vector<16xf32>
    %get3A_675 = arith.constant 864 : index
    %get3A_676 = tpu.vector_load %arg9[%get3A_675] {strides = array<i32>} : memref<1280xf32, #tpu.memory_space<vmem>>, vector<16xf32>,
    %add3A_677 = arith.addf %add3A_674, %get3A_676 : vector<16xf32>
    %get3A_678 = arith.constant 944 : index
    %get3A_679 = tpu.vector_load %arg9[%get3A_678] {strides = array<i32>} : memref<1280xf32, #tpu.memory_space<vmem>>, vector<16xf32>,
    %add3A_680 = arith.addf %add3A_677, %get3A_679 : vector<16xf32>
    %get3A_681 = arith.constant 1024 : index
    %get3A_682 = tpu.vector_load %arg9[%get3A_681] {strides = array<i32>} : memref<1280xf32, #tpu.memory_space<vmem>>, vector<16xf32>,
    %add3A_683 = arith.addf %add3A_680, %get3A_682 : vector<16xf32>
    %get3A_684 = arith.constant 1104 : index
    %get3A_685 = tpu.vector_load %arg9[%get3A_684] {strides = array<i32>} : memref<1280xf32, #tpu.memory_space<vmem>>, vector<16xf32>,
    %add3A_686 = arith.addf %add3A_683, %get3A_685 : vector<16xf32>
    %get3A_687 = arith.constant 1184 : index
    %get3A_688 = tpu.vector_load %arg9[%get3A_687] {strides = array<i32>} : memref<1280xf32, #tpu.memory_space<vmem>>, vector<16xf32>,
    %add3A_689 = arith.addf %add3A_686, %get3A_688 : vector<16xf32>
    %get3A_690 = arith.constant 1264 : index
    %get3A_691 = tpu.vector_load %arg9[%get3A_690] {strides = array<i32>} : memref<1280xf32, #tpu.memory_space<vmem>>, vector<16xf32>,
    %add3A_692 = arith.addf %add3A_689, %get3A_691 : vector<16xf32>
    %swap3A_693 = arith.constant 64 : index
    %swap3A_694 = tpu.vector_load %arg6[%swap3A_693] {strides = array<i32>} : memref<1280xf32, #tpu.memory_space<vmem>>, vector<16xf32>,
    tpu.vector_store %arg6[%swap3A_693], %add3A_692 {strides = array<i32>} : memref<1280xf32, #tpu.memory_space<vmem>>, vector<16xf32>,
    %mul3A_695 = arith.constant 80 : i32
    %mul3A_696 = arith.muli %arg1, %mul3A_695 : i32
    "tpu.region"() ({
      %run_scoped3A = tpu.sem_alloc : memref<!tpu.dma_semaphore, #tpu.memory_space<semaphore_mem>>
      %dma_start3A_697 = arith.constant 0 : i32
      %dma_start3A_698 = tpu.memref_slice %arg6[%dma_start3A_697] : memref<1280xf32, #tpu.memory_space<vmem>> -> memref<80xf32, #tpu.memory_space<vmem>>
      %dma_start3A_699 = tpu.memref_slice %arg3[%mul3A_696] : memref<1280xf32, #tpu.memory_space<hbm>> -> memref<80xf32, #tpu.memory_space<hbm>>
      %dma_start3A_700 = tpu.memref_slice %arg3[%mul3A_696] : memref<1280xf32, #tpu.memory_space<hbm>> -> memref<80xf32, #tpu.memory_space<hbm>>
      %dma_start3A_701 = arith.constant 0 : i32
      %dma_start3A_702 = tpu.memref_slice %arg6[%dma_start3A_701] : memref<1280xf32, #tpu.memory_space<vmem>> -> memref<80xf32, #tpu.memory_space<vmem>>
      tpu.enqueue_dma source(%dma_start3A_702 : memref<80xf32, #tpu.memory_space<vmem>>) target(%dma_start3A_700 : memref<80xf32, #tpu.memory_space<hbm>>) target_semaphore(%run_scoped3A : memref<!tpu.dma_semaphore, #tpu.memory_space<semaphore_mem>>)
      %dma_wait3A_703 = arith.constant 0 : i32
      %dma_wait3A_704 = tpu.memref_slice %arg6[%dma_wait3A_703] : memref<1280xf32, #tpu.memory_space<vmem>> -> memref<80xf32, #tpu.memory_space<vmem>>
      %dma_wait3A_705 = tpu.memref_slice %arg3[%mul3A_696] : memref<1280xf32, #tpu.memory_space<hbm>> -> memref<80xf32, #tpu.memory_space<hbm>>
      %dma_wait3A_706 = tpu.memref_slice %arg3[%mul3A_696] : memref<1280xf32, #tpu.memory_space<hbm>> -> memref<80xf32, #tpu.memory_space<hbm>>
      %dma_wait3A_707 = arith.constant 0 : i32
      %dma_wait3A_708 = tpu.memref_slice %arg6[%dma_wait3A_707] : memref<1280xf32, #tpu.memory_space<vmem>> -> memref<80xf32, #tpu.memory_space<vmem>>
      tpu.wait_dma2 semaphore(%run_scoped3A : memref<!tpu.dma_semaphore, #tpu.memory_space<semaphore_mem>>) src(%dma_wait3A_708 : memref<80xf32, #tpu.memory_space<vmem>>) dst(%dma_wait3A_706 : memref<80xf32, #tpu.memory_space<hbm>>)
      tpu.yield
    }) : () -> ()
    return
  }
}

module attributes {stable_mosaic.version = 14 : i64} {
  func.func @_combine_body(%arg0: memref<1x128xf32, #tpu.memory_space<vmem>>, %arg1: memref<1280xf32, #tpu.memory_space<vmem>>, %arg2: memref<1x1xf32, #tpu.memory_space<vmem>>, %arg3: memref<1x3xf32, #tpu.memory_space<vmem>>) attributes {dimension_semantics = [], scalar_prefetch = 0 : i64, scratch_operands = 0 : i64, tpu.core_type = #tpu.core_type<tc>} {
    %get3A = arith.constant 0 : index
    %get3A_0 = vector.load %arg1[%get3A] : memref<1280xf32, #tpu.memory_space<vmem>>, vector<1280xf32>
    %slice3A = vector.extract_strided_slice %get3A_0 {offsets = [0], sizes = [640], strides = [1]} : vector<1280xf32> to vector<640xf32>
    %reshape3A = vector.shape_cast %slice3A : vector<640xf32> to vector<1x640xf32>
    %slice3A_1 = vector.extract_strided_slice %get3A_0 {offsets = [640], sizes = [640], strides = [1]} : vector<1280xf32> to vector<640xf32>
    %reshape3A_2 = vector.shape_cast %slice3A_1 : vector<640xf32> to vector<1x640xf32>
    %slice3A_3 = vector.extract_strided_slice %reshape3A_2 {offsets = [0, 0], sizes = [1, 64], strides = [1, 1]} : vector<1x640xf32> to vector<1x64xf32>
    %reduce_sum3A = vector.shape_cast %slice3A_3 : vector<1x64xf32> to vector<1x1x64xf32>
    %reduce_sum3A_4 = arith.constant dense<0.000000e+00> : vector<1xf32>
    %reduce_sum3A_5 = vector.multi_reduction <add>, %reduce_sum3A, %reduce_sum3A_4 [1, 2] : vector<1x1x64xf32> to vector<1xf32>
    %reduce_sum3A_6 = vector.shape_cast %reduce_sum3A_5 : vector<1xf32> to vector<1x1x1xf32>
    %reduce_sum3A_7 = vector.extract %reduce_sum3A_6[0, 0, 0] : f32 from vector<1x1x1xf32>
    %sub3A = arith.constant 1.638400e+04 : f32
    %sub3A_8 = arith.subf %sub3A, %reduce_sum3A_7 : f32
    %sub3A_9 = arith.subf %reshape3A, %reshape3A_2 : vector<1x640xf32>
    %div3A = vector.broadcast %sub3A_8 : f32 to vector<1x640xf32>
    %div3A_10 = arith.divf %sub3A_9, %div3A : vector<1x640xf32>
    %div3A_11 = vector.broadcast %reduce_sum3A_7 : f32 to vector<1x640xf32>
    %div3A_12 = arith.divf %reshape3A_2, %div3A_11 : vector<1x640xf32>
    %add3A = arith.constant 1.000000e-10 : f32
    %add3A_13 = vector.broadcast %add3A : f32 to vector<1x640xf32>
    %add3A_14 = arith.addf %div3A_10, %add3A_13 : vector<1x640xf32>
    %add3A_15 = arith.constant 1.000000e-10 : f32
    %add3A_16 = vector.broadcast %add3A_15 : f32 to vector<1x640xf32>
    %add3A_17 = arith.addf %div3A_12, %add3A_16 : vector<1x640xf32>
    %div3A_18 = arith.divf %add3A_14, %add3A_17 : vector<1x640xf32>
    %log3A = math.log %div3A_18 : vector<1x640xf32>
    %mul3A = arith.mulf %div3A_10, %log3A : vector<1x640xf32>
    %reduce_sum3A_19 = vector.shape_cast %mul3A : vector<1x640xf32> to vector<1x1x640xf32>
    %reduce_sum3A_20 = arith.constant dense<0.000000e+00> : vector<1xf32>
    %reduce_sum3A_21 = vector.multi_reduction <add>, %reduce_sum3A_19, %reduce_sum3A_20 [1, 2] : vector<1x1x640xf32> to vector<1xf32>
    %reduce_sum3A_22 = vector.shape_cast %reduce_sum3A_21 : vector<1xf32> to vector<1x1x1xf32>
    %reduce_sum3A_23 = vector.extract %reduce_sum3A_22[0, 0, 0] : f32 from vector<1x1x1xf32>
    %get3A_24 = arith.constant 0 : index
    %get3A_25 = arith.constant 0 : index
    %get3A_26 = vector.load %arg0[%get3A_24, %get3A_25] : memref<1x128xf32, #tpu.memory_space<vmem>>, vector<1x1xf32>
    %get3A_27 = vector.extract %get3A_26[0, 0] : f32 from vector<1x1xf32>
    %get3A_28 = arith.constant 0 : index
    %get3A_29 = arith.constant 1 : index
    %get3A_30 = vector.load %arg0[%get3A_28, %get3A_29] : memref<1x128xf32, #tpu.memory_space<vmem>>, vector<1x1xf32>
    %get3A_31 = vector.extract %get3A_30[0, 0] : f32 from vector<1x1xf32>
    %add3A_32 = arith.addf %get3A_27, %get3A_31 : f32
    %mul3A_33 = arith.constant 0.699999988 : f32
    %mul3A_34 = arith.mulf %mul3A_33, %add3A_32 : f32
    %mul3A_35 = arith.constant 3.000000e-01 : f32
    %mul3A_36 = arith.mulf %mul3A_35, %reduce_sum3A_23 : f32
    %add3A_37 = arith.addf %mul3A_34, %mul3A_36 : f32
    %broadcast_in_dim3A = arith.constant 1.000000e+00 : f32
    %broadcast_in_dim3A_38 = vector.broadcast %broadcast_in_dim3A : f32 to vector<1x1xf32>
    %mul3A_39 = vector.broadcast %add3A_37 : f32 to vector<1x1xf32>
    %mul3A_40 = arith.mulf %broadcast_in_dim3A_38, %mul3A_39 : vector<1x1xf32>
    %swap3A = arith.constant 0 : index
    %swap3A_41 = arith.constant 0 : index
    %swap3A_42 = vector.load %arg2[%swap3A, %swap3A_41] : memref<1x1xf32, #tpu.memory_space<vmem>>, vector<1x1xf32>
    tpu.vector_store %arg2[%swap3A, %swap3A_41], %mul3A_40 {strides = array<i32>} : memref<1x1xf32, #tpu.memory_space<vmem>>, vector<1x1xf32>,
    %iota3A = tpu.iota {dimensions = array<i32: 1>} : vector<1x3xi32>
    %eq3A = arith.constant 0 : i32
    %eq3A_43 = vector.broadcast %eq3A : i32 to vector<1x3xi32>
    %eq3A_44 = arith.cmpi eq, %iota3A, %eq3A_43 : vector<1x3xi32>
    %eq3A_45 = arith.constant 1 : i32
    %eq3A_46 = vector.broadcast %eq3A_45 : i32 to vector<1x3xi32>
    %eq3A_47 = arith.cmpi eq, %iota3A, %eq3A_46 : vector<1x3xi32>
    %mul3A_48 = arith.constant 3.000000e-01 : f32
    %mul3A_49 = arith.mulf %mul3A_48, %reduce_sum3A_23 : f32
    %broadcast_in_dim3A_50 = vector.broadcast %get3A_31 : f32 to vector<1x3xf32>
    %broadcast_in_dim3A_51 = vector.broadcast %mul3A_49 : f32 to vector<1x3xf32>
    %select_n3A = arith.select %eq3A_47, %broadcast_in_dim3A_50, %broadcast_in_dim3A_51 : vector<1x3xi1>, vector<1x3xf32>
    %broadcast_in_dim3A_52 = vector.broadcast %get3A_27 : f32 to vector<1x3xf32>
    %select_n3A_53 = arith.select %eq3A_44, %broadcast_in_dim3A_52, %select_n3A : vector<1x3xi1>, vector<1x3xf32>
    %swap3A_54 = arith.constant 0 : index
    %swap3A_55 = arith.constant 0 : index
    %swap3A_56 = vector.load %arg3[%swap3A_54, %swap3A_55] : memref<1x3xf32, #tpu.memory_space<vmem>>, vector<1x3xf32>
    tpu.vector_store %arg3[%swap3A_54, %swap3A_55], %select_n3A_53 {strides = array<i32>} : memref<1x3xf32, #tpu.memory_space<vmem>>, vector<1x3xf32>,
    return
  }
}

module attributes {stable_mosaic.version = 14 : i64} {
  func.func @_dense_body(%arg0: i32, %arg1: memref<99x8192xf32, #tpu.memory_space<vmem>>, %arg2: memref<99x8192xf32, #tpu.memory_space<vmem>>, %arg3: memref<1x128xf32, #tpu.memory_space<vmem>>, %arg4: memref<4xf32, #tpu.memory_space<smem>>) attributes {dimension_semantics = [#tpu.dimension_semantics<arbitrary>], iteration_bounds = array<i64: 2>, scalar_prefetch = 0 : i64, scratch_operands = 1 : i64, tpu.core_type = #tpu.core_type<tc>, window_params = [{transform_indices = @transform_0, window_bounds = array<i64: 99, 8192>}, {transform_indices = @transform_1, window_bounds = array<i64: 99, 8192>}, {pipeline_mode = #tpu.pipeline_mode<synchronous>, transform_indices = @transform_2, window_bounds = array<i64: 1, 128>}]} {
    %eq3A = arith.constant 0 : i32
    %eq3A_0 = arith.cmpi eq, %arg0, %eq3A : i32
    %convert_element_type3A = arith.extui %eq3A_0 : i1 to i32
    %cond3A = arith.constant 0 : i32
    %cond3A_1 = arith.cmpi ne, %convert_element_type3A, %cond3A : i32
    scf.if %cond3A_1 {
      %swap3A_182 = arith.constant 0.000000e+00 : f32
      %swap3A_183 = arith.constant 0 : index
      %swap3A_184 = memref.load %arg4[%swap3A_183] : memref<4xf32, #tpu.memory_space<smem>>
      memref.store %swap3A_182, %arg4[%swap3A_183] : memref<4xf32, #tpu.memory_space<smem>>
      %swap3A_185 = arith.constant 0.000000e+00 : f32
      %swap3A_186 = arith.constant 1 : index
      %swap3A_187 = memref.load %arg4[%swap3A_186] : memref<4xf32, #tpu.memory_space<smem>>
      memref.store %swap3A_185, %arg4[%swap3A_186] : memref<4xf32, #tpu.memory_space<smem>>
    } else {
    }
    %get3A = arith.constant 0 : index
    %get3A_2 = arith.constant 0 : index
    %get3A_3 = vector.load %arg1[%get3A, %get3A_2] : memref<99x8192xf32, #tpu.memory_space<vmem>>, vector<99x8192xf32>
    %get3A_4 = arith.constant 0 : index
    %get3A_5 = arith.constant 0 : index
    %get3A_6 = vector.load %arg2[%get3A_4, %get3A_5] : memref<99x8192xf32, #tpu.memory_space<vmem>>, vector<99x8192xf32>
    %iota3A = tpu.iota {dimensions = array<i32: 0>} : vector<99x1xi32>
    %broadcast_in_dim3A = arith.constant 0.000000e+00 : f32
    %broadcast_in_dim3A_7 = vector.broadcast %broadcast_in_dim3A : f32 to vector<99x1xf32>
    %eq3A_8 = arith.constant 0 : i32
    %eq3A_9 = vector.broadcast %eq3A_8 : i32 to vector<99x1xi32>
    %eq3A_10 = arith.cmpi eq, %iota3A, %eq3A_9 : vector<99x1xi32>
    %convert_element_type3A_11 = arith.extui %eq3A_10 : vector<99x1xi1> to vector<99x1xi32>
    %convert_element_type3A_12 = arith.sitofp %convert_element_type3A_11 : vector<99x1xi32> to vector<99x1xf32>
    %add3A = arith.addf %broadcast_in_dim3A_7, %convert_element_type3A_12 : vector<99x1xf32>
    %eq3A_13 = arith.constant 55 : i32
    %eq3A_14 = vector.broadcast %eq3A_13 : i32 to vector<99x1xi32>
    %eq3A_15 = arith.cmpi eq, %iota3A, %eq3A_14 : vector<99x1xi32>
    %convert_element_type3A_16 = arith.extui %eq3A_15 : vector<99x1xi1> to vector<99x1xi32>
    %convert_element_type3A_17 = arith.sitofp %convert_element_type3A_16 : vector<99x1xi32> to vector<99x1xf32>
    %add3A_18 = arith.addf %add3A, %convert_element_type3A_17 : vector<99x1xf32>
    %eq3A_19 = arith.constant 56 : i32
    %eq3A_20 = vector.broadcast %eq3A_19 : i32 to vector<99x1xi32>
    %eq3A_21 = arith.cmpi eq, %iota3A, %eq3A_20 : vector<99x1xi32>
    %convert_element_type3A_22 = arith.extui %eq3A_21 : vector<99x1xi1> to vector<99x1xi32>
    %convert_element_type3A_23 = arith.sitofp %convert_element_type3A_22 : vector<99x1xi32> to vector<99x1xf32>
    %add3A_24 = arith.addf %add3A_18, %convert_element_type3A_23 : vector<99x1xf32>
    %eq3A_25 = arith.constant 57 : i32
    %eq3A_26 = vector.broadcast %eq3A_25 : i32 to vector<99x1xi32>
    %eq3A_27 = arith.cmpi eq, %iota3A, %eq3A_26 : vector<99x1xi32>
    %convert_element_type3A_28 = arith.extui %eq3A_27 : vector<99x1xi1> to vector<99x1xi32>
    %convert_element_type3A_29 = arith.sitofp %convert_element_type3A_28 : vector<99x1xi32> to vector<99x1xf32>
    %add3A_30 = arith.addf %add3A_24, %convert_element_type3A_29 : vector<99x1xf32>
    %sub3A = arith.constant 1.000000e+00 : f32
    %sub3A_31 = vector.broadcast %sub3A : f32 to vector<99x1xf32>
    %sub3A_32 = arith.subf %sub3A_31, %add3A_30 : vector<99x1xf32>
    %iota3A_33 = tpu.iota {dimensions = array<i32: 0>} : vector<8x99xi32>
    %iota3A_34 = tpu.iota {dimensions = array<i32: 1>} : vector<8x99xi32>
    %broadcast_in_dim3A_35 = arith.constant 0.000000e+00 : f32
    %broadcast_in_dim3A_36 = vector.broadcast %broadcast_in_dim3A_35 : f32 to vector<8x99xf32>
    %eq3A_37 = arith.constant 0 : i32
    %eq3A_38 = vector.broadcast %eq3A_37 : i32 to vector<8x99xi32>
    %eq3A_39 = arith.cmpi eq, %iota3A_33, %eq3A_38 : vector<8x99xi32>
    %ge3A = arith.constant 1 : i32
    %ge3A_40 = vector.broadcast %ge3A : i32 to vector<8x99xi32>
    %ge3A_41 = arith.cmpi sge, %iota3A_34, %ge3A_40 : vector<8x99xi32>
    %and3A = arith.andi %eq3A_39, %ge3A_41 : vector<8x99xi1>
    %lt3A = arith.constant 8 : i32
    %lt3A_42 = vector.broadcast %lt3A : i32 to vector<8x99xi32>
    %lt3A_43 = arith.cmpi slt, %iota3A_34, %lt3A_42 : vector<8x99xi32>
    %and3A_44 = arith.andi %and3A, %lt3A_43 : vector<8x99xi1>
    %convert_element_type3A_45 = arith.extui %and3A_44 : vector<8x99xi1> to vector<8x99xi32>
    %convert_element_type3A_46 = arith.sitofp %convert_element_type3A_45 : vector<8x99xi32> to vector<8x99xf32>
    %add3A_47 = arith.addf %broadcast_in_dim3A_36, %convert_element_type3A_46 : vector<8x99xf32>
    %eq3A_48 = arith.constant 1 : i32
    %eq3A_49 = vector.broadcast %eq3A_48 : i32 to vector<8x99xi32>
    %eq3A_50 = arith.cmpi eq, %iota3A_33, %eq3A_49 : vector<8x99xi32>
    %ge3A_51 = arith.constant 8 : i32
    %ge3A_52 = vector.broadcast %ge3A_51 : i32 to vector<8x99xi32>
    %ge3A_53 = arith.cmpi sge, %iota3A_34, %ge3A_52 : vector<8x99xi32>
    %and3A_54 = arith.andi %eq3A_50, %ge3A_53 : vector<8x99xi1>
    %lt3A_55 = arith.constant 24 : i32
    %lt3A_56 = vector.broadcast %lt3A_55 : i32 to vector<8x99xi32>
    %lt3A_57 = arith.cmpi slt, %iota3A_34, %lt3A_56 : vector<8x99xi32>
    %and3A_58 = arith.andi %and3A_54, %lt3A_57 : vector<8x99xi1>
    %convert_element_type3A_59 = arith.extui %and3A_58 : vector<8x99xi1> to vector<8x99xi32>
    %convert_element_type3A_60 = arith.sitofp %convert_element_type3A_59 : vector<8x99xi32> to vector<8x99xf32>
    %add3A_61 = arith.addf %add3A_47, %convert_element_type3A_60 : vector<8x99xf32>
    %eq3A_62 = arith.constant 2 : i32
    %eq3A_63 = vector.broadcast %eq3A_62 : i32 to vector<8x99xi32>
    %eq3A_64 = arith.cmpi eq, %iota3A_33, %eq3A_63 : vector<8x99xi32>
    %ge3A_65 = arith.constant 24 : i32
    %ge3A_66 = vector.broadcast %ge3A_65 : i32 to vector<8x99xi32>
    %ge3A_67 = arith.cmpi sge, %iota3A_34, %ge3A_66 : vector<8x99xi32>
    %and3A_68 = arith.andi %eq3A_64, %ge3A_67 : vector<8x99xi1>
    %lt3A_69 = arith.constant 31 : i32
    %lt3A_70 = vector.broadcast %lt3A_69 : i32 to vector<8x99xi32>
    %lt3A_71 = arith.cmpi slt, %iota3A_34, %lt3A_70 : vector<8x99xi32>
    %and3A_72 = arith.andi %and3A_68, %lt3A_71 : vector<8x99xi1>
    %convert_element_type3A_73 = arith.extui %and3A_72 : vector<8x99xi1> to vector<8x99xi32>
    %convert_element_type3A_74 = arith.sitofp %convert_element_type3A_73 : vector<8x99xi32> to vector<8x99xf32>
    %add3A_75 = arith.addf %add3A_61, %convert_element_type3A_74 : vector<8x99xf32>
    %eq3A_76 = arith.constant 3 : i32
    %eq3A_77 = vector.broadcast %eq3A_76 : i32 to vector<8x99xi32>
    %eq3A_78 = arith.cmpi eq, %iota3A_33, %eq3A_77 : vector<8x99xi32>
    %ge3A_79 = arith.constant 31 : i32
    %ge3A_80 = vector.broadcast %ge3A_79 : i32 to vector<8x99xi32>
    %ge3A_81 = arith.cmpi sge, %iota3A_34, %ge3A_80 : vector<8x99xi32>
    %and3A_82 = arith.andi %eq3A_78, %ge3A_81 : vector<8x99xi1>
    %lt3A_83 = arith.constant 45 : i32
    %lt3A_84 = vector.broadcast %lt3A_83 : i32 to vector<8x99xi32>
    %lt3A_85 = arith.cmpi slt, %iota3A_34, %lt3A_84 : vector<8x99xi32>
    %and3A_86 = arith.andi %and3A_82, %lt3A_85 : vector<8x99xi1>
    %convert_element_type3A_87 = arith.extui %and3A_86 : vector<8x99xi1> to vector<8x99xi32>
    %convert_element_type3A_88 = arith.sitofp %convert_element_type3A_87 : vector<8x99xi32> to vector<8x99xf32>
    %add3A_89 = arith.addf %add3A_75, %convert_element_type3A_88 : vector<8x99xf32>
    %eq3A_90 = arith.constant 4 : i32
    %eq3A_91 = vector.broadcast %eq3A_90 : i32 to vector<8x99xi32>
    %eq3A_92 = arith.cmpi eq, %iota3A_33, %eq3A_91 : vector<8x99xi32>
    %ge3A_93 = arith.constant 45 : i32
    %ge3A_94 = vector.broadcast %ge3A_93 : i32 to vector<8x99xi32>
    %ge3A_95 = arith.cmpi sge, %iota3A_34, %ge3A_94 : vector<8x99xi32>
    %and3A_96 = arith.andi %eq3A_92, %ge3A_95 : vector<8x99xi1>
    %lt3A_97 = arith.constant 51 : i32
    %lt3A_98 = vector.broadcast %lt3A_97 : i32 to vector<8x99xi32>
    %lt3A_99 = arith.cmpi slt, %iota3A_34, %lt3A_98 : vector<8x99xi32>
    %and3A_100 = arith.andi %and3A_96, %lt3A_99 : vector<8x99xi1>
    %convert_element_type3A_101 = arith.extui %and3A_100 : vector<8x99xi1> to vector<8x99xi32>
    %convert_element_type3A_102 = arith.sitofp %convert_element_type3A_101 : vector<8x99xi32> to vector<8x99xf32>
    %add3A_103 = arith.addf %add3A_89, %convert_element_type3A_102 : vector<8x99xf32>
    %eq3A_104 = arith.constant 5 : i32
    %eq3A_105 = vector.broadcast %eq3A_104 : i32 to vector<8x99xi32>
    %eq3A_106 = arith.cmpi eq, %iota3A_33, %eq3A_105 : vector<8x99xi32>
    %ge3A_107 = arith.constant 51 : i32
    %ge3A_108 = vector.broadcast %ge3A_107 : i32 to vector<8x99xi32>
    %ge3A_109 = arith.cmpi sge, %iota3A_34, %ge3A_108 : vector<8x99xi32>
    %and3A_110 = arith.andi %eq3A_106, %ge3A_109 : vector<8x99xi1>
    %lt3A_111 = arith.constant 53 : i32
    %lt3A_112 = vector.broadcast %lt3A_111 : i32 to vector<8x99xi32>
    %lt3A_113 = arith.cmpi slt, %iota3A_34, %lt3A_112 : vector<8x99xi32>
    %and3A_114 = arith.andi %and3A_110, %lt3A_113 : vector<8x99xi1>
    %convert_element_type3A_115 = arith.extui %and3A_114 : vector<8x99xi1> to vector<8x99xi32>
    %convert_element_type3A_116 = arith.sitofp %convert_element_type3A_115 : vector<8x99xi32> to vector<8x99xf32>
    %add3A_117 = arith.addf %add3A_103, %convert_element_type3A_116 : vector<8x99xf32>
    %eq3A_118 = arith.constant 6 : i32
    %eq3A_119 = vector.broadcast %eq3A_118 : i32 to vector<8x99xi32>
    %eq3A_120 = arith.cmpi eq, %iota3A_33, %eq3A_119 : vector<8x99xi32>
    %ge3A_121 = arith.constant 53 : i32
    %ge3A_122 = vector.broadcast %ge3A_121 : i32 to vector<8x99xi32>
    %ge3A_123 = arith.cmpi sge, %iota3A_34, %ge3A_122 : vector<8x99xi32>
    %and3A_124 = arith.andi %eq3A_120, %ge3A_123 : vector<8x99xi1>
    %lt3A_125 = arith.constant 55 : i32
    %lt3A_126 = vector.broadcast %lt3A_125 : i32 to vector<8x99xi32>
    %lt3A_127 = arith.cmpi slt, %iota3A_34, %lt3A_126 : vector<8x99xi32>
    %and3A_128 = arith.andi %and3A_124, %lt3A_127 : vector<8x99xi1>
    %convert_element_type3A_129 = arith.extui %and3A_128 : vector<8x99xi1> to vector<8x99xi32>
    %convert_element_type3A_130 = arith.sitofp %convert_element_type3A_129 : vector<8x99xi32> to vector<8x99xf32>
    %add3A_131 = arith.addf %add3A_117, %convert_element_type3A_130 : vector<8x99xf32>
    %eq3A_132 = arith.constant 7 : i32
    %eq3A_133 = vector.broadcast %eq3A_132 : i32 to vector<8x99xi32>
    %eq3A_134 = arith.cmpi eq, %iota3A_33, %eq3A_133 : vector<8x99xi32>
    %ge3A_135 = arith.constant 58 : i32
    %ge3A_136 = vector.broadcast %ge3A_135 : i32 to vector<8x99xi32>
    %ge3A_137 = arith.cmpi sge, %iota3A_34, %ge3A_136 : vector<8x99xi32>
    %and3A_138 = arith.andi %eq3A_134, %ge3A_137 : vector<8x99xi1>
    %lt3A_139 = arith.constant 99 : i32
    %lt3A_140 = vector.broadcast %lt3A_139 : i32 to vector<8x99xi32>
    %lt3A_141 = arith.cmpi slt, %iota3A_34, %lt3A_140 : vector<8x99xi32>
    %and3A_142 = arith.andi %and3A_138, %lt3A_141 : vector<8x99xi1>
    %convert_element_type3A_143 = arith.extui %and3A_142 : vector<8x99xi1> to vector<8x99xi32>
    %convert_element_type3A_144 = arith.sitofp %convert_element_type3A_143 : vector<8x99xi32> to vector<8x99xf32>
    %add3A_145 = arith.addf %add3A_131, %convert_element_type3A_144 : vector<8x99xf32>
    %sub3A_146 = arith.subf %get3A_3, %get3A_6 : vector<99x8192xf32>
    %get3A_147 = arith.constant 0 : index
    %get3A_148 = memref.load %arg4[%get3A_147] : memref<4xf32, #tpu.memory_space<smem>>
    %mul3A = arith.mulf %sub3A_146, %sub3A_146 : vector<99x8192xf32>
    %mul3A_149 = vector.broadcast %add3A_30 : vector<99x1xf32> to vector<99x8192xf32>
    %mul3A_150 = arith.mulf %mul3A, %mul3A_149 : vector<99x8192xf32>
    %reduce_sum3A = vector.shape_cast %mul3A_150 : vector<99x8192xf32> to vector<1x99x8192xf32>
    %reduce_sum3A_151 = arith.constant dense<0.000000e+00> : vector<1xf32>
    %reduce_sum3A_152 = vector.multi_reduction <add>, %reduce_sum3A, %reduce_sum3A_151 [1, 2] : vector<1x99x8192xf32> to vector<1xf32>
    %reduce_sum3A_153 = vector.shape_cast %reduce_sum3A_152 : vector<1xf32> to vector<1x1x1xf32>
    %reduce_sum3A_154 = vector.extract %reduce_sum3A_153[0, 0, 0] : f32 from vector<1x1x1xf32>
    %add3A_155 = arith.addf %get3A_148, %reduce_sum3A_154 : f32
    %swap3A = arith.constant 0 : index
    %swap3A_156 = memref.load %arg4[%swap3A] : memref<4xf32, #tpu.memory_space<smem>>
    memref.store %add3A_155, %arg4[%swap3A] : memref<4xf32, #tpu.memory_space<smem>>
    %exp3A = math.exp %get3A_3 : vector<99x8192xf32>
    %dot_general3A = arith.constant dense<0.000000e+00> : vector<8x8192xf32>
    %dot_general3A_157 = tpu.matmul %add3A_145, %exp3A, %dot_general3A {dimension_numbers = #tpu.dot_dimension_numbers<[1], [0], [0], [1], [0, 0, 1, 1], [], []>, transpose_lhs_hint = false} : vector<8x99xf32>, vector<99x8192xf32>, vector<8x8192xf32> -> vector<8x8192xf32>
    %log3A = math.log %dot_general3A_157 : vector<8x8192xf32>
    %reduce_sum3A_158 = vector.shape_cast %log3A : vector<8x8192xf32> to vector<1x8x8192xf32>
    %reduce_sum3A_159 = arith.constant dense<0.000000e+00> : vector<1xf32>
    %reduce_sum3A_160 = vector.multi_reduction <add>, %reduce_sum3A_158, %reduce_sum3A_159 [1, 2] : vector<1x8x8192xf32> to vector<1xf32>
    %reduce_sum3A_161 = vector.shape_cast %reduce_sum3A_160 : vector<1xf32> to vector<1x1x1xf32>
    %reduce_sum3A_162 = vector.extract %reduce_sum3A_161[0, 0, 0] : f32 from vector<1x1x1xf32>
    %mul3A_163 = arith.mulf %get3A_6, %get3A_3 : vector<99x8192xf32>
    %mul3A_164 = vector.broadcast %sub3A_32 : vector<99x1xf32> to vector<99x8192xf32>
    %mul3A_165 = arith.mulf %mul3A_163, %mul3A_164 : vector<99x8192xf32>
    %reduce_sum3A_166 = vector.shape_cast %mul3A_165 : vector<99x8192xf32> to vector<1x99x8192xf32>
    %reduce_sum3A_167 = arith.constant dense<0.000000e+00> : vector<1xf32>
    %reduce_sum3A_168 = vector.multi_reduction <add>, %reduce_sum3A_166, %reduce_sum3A_167 [1, 2] : vector<1x99x8192xf32> to vector<1xf32>
    %reduce_sum3A_169 = vector.shape_cast %reduce_sum3A_168 : vector<1xf32> to vector<1x1x1xf32>
    %reduce_sum3A_170 = vector.extract %reduce_sum3A_169[0, 0, 0] : f32 from vector<1x1x1xf32>
    %get3A_171 = arith.constant 1 : index
    %get3A_172 = memref.load %arg4[%get3A_171] : memref<4xf32, #tpu.memory_space<smem>>
    %sub3A_173 = arith.subf %reduce_sum3A_162, %reduce_sum3A_170 : f32
    %add3A_174 = arith.addf %get3A_172, %sub3A_173 : f32
    %swap3A_175 = arith.constant 1 : index
    %swap3A_176 = memref.load %arg4[%swap3A_175] : memref<4xf32, #tpu.memory_space<smem>>
    memref.store %add3A_174, %arg4[%swap3A_175] : memref<4xf32, #tpu.memory_space<smem>>
    %eq3A_177 = arith.constant 1 : i32
    %eq3A_178 = arith.cmpi eq, %arg0, %eq3A_177 : i32
    %convert_element_type3A_179 = arith.extui %eq3A_178 : i1 to i32
    %cond3A_180 = arith.constant 0 : i32
    %cond3A_181 = arith.cmpi ne, %convert_element_type3A_179, %cond3A_180 : i32
    scf.if %cond3A_181 {
      %iota3A_182 = tpu.iota {dimensions = array<i32: 1>} : vector<1x128xi32>
      %eq3A_183 = arith.constant 0 : i32
      %eq3A_184 = vector.broadcast %eq3A_183 : i32 to vector<1x128xi32>
      %eq3A_185 = arith.cmpi eq, %iota3A_182, %eq3A_184 : vector<1x128xi32>
      %get3A_186 = arith.constant 0 : index
      %get3A_187 = memref.load %arg4[%get3A_186] : memref<4xf32, #tpu.memory_space<smem>>
      %mul3A_188 = arith.constant 6.10351563E-5 : f32
      %mul3A_189 = arith.mulf %get3A_187, %mul3A_188 : f32
      %get3A_190 = arith.constant 1 : index
      %get3A_191 = memref.load %arg4[%get3A_190] : memref<4xf32, #tpu.memory_space<smem>>
      %mul3A_192 = arith.constant 6.10351563E-5 : f32
      %mul3A_193 = arith.mulf %get3A_191, %mul3A_192 : f32
      %broadcast_in_dim3A_194 = vector.broadcast %mul3A_189 : f32 to vector<1x128xf32>
      %broadcast_in_dim3A_195 = vector.broadcast %mul3A_193 : f32 to vector<1x128xf32>
      %select_n3A = arith.select %eq3A_185, %broadcast_in_dim3A_194, %broadcast_in_dim3A_195 : vector<1x128xi1>, vector<1x128xf32>
      %swap3A_196 = arith.constant 0 : index
      %swap3A_197 = arith.constant 0 : index
      %swap3A_198 = vector.load %arg3[%swap3A_196, %swap3A_197] : memref<1x128xf32, #tpu.memory_space<vmem>>, vector<1x128xf32>
      tpu.vector_store %arg3[%swap3A_196, %swap3A_197], %select_n3A {strides = array<i32>} : memref<1x128xf32, #tpu.memory_space<vmem>>, vector<1x128xf32>,
    } else {
    }
    return
  }
  func.func @transform_0(%arg0: i32) -> (i32, i32) {
    %c0_i32 = arith.constant 0 : i32
    %c0_i32_0 = arith.constant 0 : i32
    return %c0_i32, %arg0 : i32, i32
  }
  func.func @transform_1(%arg0: i32) -> (i32, i32) {
    %c0_i32 = arith.constant 0 : i32
    %c0_i32_0 = arith.constant 0 : i32
    return %c0_i32, %arg0 : i32, i32
  }
  func.func @transform_2(%arg0: i32) -> (i32, i32) {
    %c0_i32 = arith.constant 0 : i32
    %c0_i32_0 = arith.constant 0 : i32
    %c0_i32_1 = arith.constant 0 : i32
    return %c0_i32, %c0_i32_0 : i32, i32
  }
}

</mosaic_0001>

<sc_bundles>
// kernel: kernel.5.cloned.1.call-start
scs
__scs_entry_jumppad:
0x0: {  	(pc) =	sbr.rel $0x88, $3  }
0x1: {  	(tag) =	ssettag $0x0;
	lr =	simm.s32 $0x1  }
0x2: {  	[smem:$0x3F9D] =	sst lr;
	_ =	strace $0xD0000000  }
0x3: {  	_ = 	snop  }
0x4: {  	_ = 	snop  }
0x5: {  	_ = 	snop  }
0x6: {  	_ = 	snop  }
0x7: {  	_ = 	snop  }
__scs_overlays_trampoline_lowered:
0x8: {  	[smem:$0x3FAC] =	sst s0  }
0x9: {  	[smem:$0x3FAD] =	sst s1  }
0xa: {  	[smem:$0x3FAE] =	sst s2  }
0xb: {  	[smem:$0x3FAF] =	sst s3  }
0xc: {  	[smem:$0x3FB0] =	sst s4  }
0xd: {  	[smem:$0x3FB1] =	sst s5  }
0xe: {  	[smem:$0x3FB2] =	sst s6  }
0xf: {  	[smem:$0x3FB3] =	sst s7  }
0x10: {  	[smem:$0x3FB4] =	sst s8  }
0x11: {  	[smem:$0x3FB5] =	sst s9;
	s0 =	simm.s32 @!p0 $0x0  }
0x12: {  	s1 =	sld [smem:$0x3F9B];
	s0 =	simm.s32 @p0 $0x1  }
0x13: {  	[smem:$0x3FB6] =	sst s0;
	s0 =	simm.s32 @!p1 $0x0  }
0x14: {  	s2 =	sld [smem:$0x3F9A];
	s0 =	simm.s32 @p1 $0x1  }
0x15: {  	[smem:$0x3FB7] =	sst s0;
	s0 =	simm.s32 @!p2 $0x0  }
0x16: {  	s3 =	sld [smem:$0x3FDB];
	s0 =	simm.s32 @p2 $0x1  }
0x17: {  	s4 =	simm.s32 $0x1BF5;
	[smem:$0x3FB9] =	sst s0  }
0x18: {  	s0 =	sld [smem:$0x3F9C];
	_ =	swait.ge [sflag:s4], $0x0  }
0x19: {  	s7 =	sld [smem:$0x3F9D]  }
0x1a: {  	s8 =	sadd.s32 $0xFFFFE003, lr  }
0x1b: {  	s9 =	sadd.s32 $0xFFFFFEF7, lr;
	s5 =	simm.s32 $0xFFFFFFFF;
	p2 =	slt.u32 s8, $0xFFFFF086  }
0x1c: {  	p1 =	slt.u32 s9, $0xF7A;
	s5 =	simm.s32 @!p2 $0x0  }
0x1d: {  	s5 =	simm.s32 @p1 $0x1;
	p0 =	seq.s32 s7, s2  }
0x1e: {  	s7 =	smul.u32 @!p0 $0xF7A, s2;
	p2 =	seq.s32 @!p0 s5, $0x0  }
0x1f: {  	s9 =	smul.u32 $0xF7A, s1;
	s8 =	simm.s32 @!p0 $0x1BF5;
	p2 =	por !p2, p0  }
0x20: {  	[sflag:s8] =	ssyncset.s32 @!p0 $0xFFFFF086;
	s6 =	sadd.s32 @!p0 s3, s7;
	s7 =	simm.s32 @!p0 $0x108  }
0x21: {  	s3 =	sadd.s32 s3, s9;
	s6 =	sadd.s32 @!p0 $0x88, s6;
	s7 =	simm.s32 @p2 $0x1082  }
0x22: {  	[simem:s7], [sflag:s8] =	dma.local @!p0 [hbm:s6], $0xF7A  }
0x23: {  	s9 =	sor.u32 $0xD0000000, s2;
	s6 =	simm.s32 $0x108;
	_ =	swait.ge @!p0 [sflag:s8], $0x0  }
0x24: {  	s3 =	sadd.s32 $0x88, s3;
	s6 =	simm.s32 @!p1 $0x1082;
	[sflag:s4] =	ssyncset.s32 $0xFFFFF086  }
0x25: {  	[simem:s6], [sflag:s4] =	dma.local [hbm:s3], $0xF7A  }
0x26: {  	[smem:$0x3F9D] =	sst s1;
	(tag) =	ssettag s2;
	_ =	strace s9  }
0x27: {  	s1 =	sld [smem:$0x3FAD]  }
0x28: {  	s2 =	sld [smem:$0x3FAE]  }
0x29: {  	s4 =	sld [smem:$0x3FB0]  }
0x2a: {  	p0 =	seq.s32 s5, $0x0;
	s5 =	sld [smem:$0x3FB1]  }
0x2b: {  	s6 =	sld [smem:$0x3FB2]  }
0x2c: {  	s7 =	sld [smem:$0x3FB3]  }
0x2d: {  	s3 =	simm.s32 $0x108;
	s8 =	sld [smem:$0x3FB4]  }
0x2e: {  	s3 =	simm.s32 @!p0 $0x1082;
	s9 =	sld [smem:$0x3FB5]  }
0x2f: {  	lr =	sadd.s32 s0, s3;
	s0 =	sld [smem:$0x3FAC]  }
0x30: {  	s3 =	sld [smem:$0x3FAF]  }
0x31: {  	[smem:$0x3FB8] =	sst s10  }
0x32: {  	s10 =	sld [smem:$0x3FB6];
	_ =	sdelay $0x3  }
0x33: {  	p0 =	seq.s32 s10, $0x1;
	s10 =	sld [smem:$0x3FB8];
	_ =	sdelay $0x3  }
0x34: {  	[smem:$0x3FB8] =	sst s10  }
0x35: {  	s10 =	sld [smem:$0x3FB7];
	_ =	sdelay $0x3  }
0x36: {  	p1 =	seq.s32 s10, $0x1;
	s10 =	sld [smem:$0x3FB8];
	_ =	sdelay $0x3  }
0x37: {  	[smem:$0x3FB8] =	sst s10  }
0x38: {  	s10 =	sld [smem:$0x3FB9]  }
0x39: {  	_ = 	snop;
	(pc) =	sbr.ind lr, $3  }
0x3a: {  	_ = 	snop  }
0x3b: {  	_ = 	snop  }
0x3c: {  	p2 =	seq.s32 s10, $0x1;
	s10 =	sld [smem:$0x3FB8]  }
0x3d: {  	_ =	shalt  }
0x3e: {  	_ =	shalt  }
0x3f: {  	_ =	shalt  }
0x40: {  	_ =	shalt  }
0x41: {  	_ =	shalt  }
0x42: {  	_ =	shalt  }
0x43: {  	_ =	shalt  }
0x44: {  	_ =	shalt  }
0x45: {  	_ =	shalt  }
0x46: {  	_ =	shalt  }
0x47: {  	_ =	shalt  }
0x48: {  	_ =	shalt  }
0x49: {  	_ =	shalt  }
0x4a: {  	_ =	shalt  }
0x4b: {  	_ =	shalt  }
0x4c: {  	_ =	shalt  }
0x4d: {  	_ =	shalt  }
0x4e: {  	_ =	shalt  }
0x4f: {  	_ =	shalt  }
0x50: {  	_ =	shalt  }
0x51: {  	_ =	shalt  }
0x52: {  	_ =	shalt  }
0x53: {  	_ =	shalt  }
0x54: {  	_ =	shalt  }
0x55: {  	_ =	shalt  }
0x56: {  	_ =	shalt  }
0x57: {  	_ =	shalt  }
0x58: {  	_ =	shalt  }
0x59: {  	_ =	shalt  }
0x5a: {  	_ =	shalt  }
0x5b: {  	_ =	shalt  }
0x5c: {  	_ =	shalt  }
0x5d: {  	_ =	shalt  }
0x5e: {  	_ =	shalt  }
0x5f: {  	_ =	shalt  }
0x60: {  	_ =	shalt  }
0x61: {  	_ =	shalt  }
0x62: {  	_ =	shalt  }
0x63: {  	_ =	shalt  }
0x64: {  	_ =	shalt  }
0x65: {  	_ =	shalt  }
0x66: {  	_ =	shalt  }
0x67: {  	_ =	shalt  }
0x68: {  	_ =	shalt  }
0x69: {  	_ =	shalt  }
0x6a: {  	_ =	shalt  }
0x6b: {  	_ =	shalt  }
0x6c: {  	_ =	shalt  }
0x6d: {  	_ =	shalt  }
0x6e: {  	_ =	shalt  }
0x6f: {  	_ =	shalt  }
0x70: {  	_ =	shalt  }
0x71: {  	_ =	shalt  }
0x72: {  	_ =	shalt  }
0x73: {  	_ =	shalt  }
0x74: {  	_ =	shalt  }
0x75: {  	_ =	shalt  }
0x76: {  	_ =	shalt  }
0x77: {  	_ =	shalt  }
0x78: {  	_ =	shalt  }
0x79: {  	_ =	shalt  }
0x7a: {  	_ =	shalt  }
0x7b: {  	_ =	shalt  }
0x7c: {  	_ =	shalt  }
0x7d: {  	_ =	shalt  }
0x7e: {  	_ =	shalt  }
0x7f: {  	_ =	shalt  }
0x80: {  	_ =	shalt  }
0x81: {  	_ =	shalt  }
0x82: {  	_ =	shalt  }
0x83: {  	_ =	shalt  }
0x84: {  	_ =	shalt  }
0x85: {  	_ =	shalt  }
0x86: {  	_ =	shalt  }
0x87: {  	_ =	shalt  }
.Lfunc_end0:
.L_simem_size_0:
called_computation_lowered:
.L_overlay_start_0:
0x88: {  	s0 =	sld [smem:$0x3FD9]  }
0x89: {  	s1 =	sld [smem:$0x3FFE];
	_ =	sdelay $0x3  }
0x8a: {  	s0 =	sadd.s32 s1, s0  }
0x8b: {  	[smem:$0x3FC4] =	sst s0  }
0x8c: {  	_ = 	snop  }
0x8d: {  	(tm) =	ssettm $0x1  }
0x8e: {  	s15 =	sld [smem:$0x3FFB];
	_ =	sdelay $0x3  }
0x8f: {  	_ =	strace s15  }
0x90: {  	s0 =	sld [smem:$0x3FFC];
	_ =	sdelay $0x3  }
0x91: {  	_ =	strace s0  }
0x92: {  	s0 =	sld [smem:$0x3FFD];
	_ =	sdelay $0x3  }
0x93: {  	_ =	strace s0  }
0x94: {  	_ =	strace $0x8FFFFFFF  }
0x95: {  	s16 =	sld [smem:$0x3FDB];
	_ =	sdelay $0x1  }
0x96: {  	s17 =	simm.s32 $_scs_section_size  }
0x97: {  	s2 =	simm.s32 $_size__tile_overlayer_lowered;
	s3 =	simm.s32 $_tile_overlayer_lowered  }
0x98: {  	s20 =	simm.s32 $0x1BFF;
	s19 =	sshll.u32 s3, $0x1;
	s0 =	sadd.s32 s17, s16  }
0x99: {  	s4 =	simm.s32 $0x0;
	s18 =	sshll.u32 s2, $0x1;
	s2 =	sadd.s32 s19, s0  }
0x9a: {  	[timem:s4], [sflag:s20] =	dma.local [hbm:s2], s18  }
0x9b: {  	_ =	swait.ge [sflag:s20], s18  }
0x9c: {  	s1 =	ssub.s32 $0x0, s18;
	[sflag:s20] =	ssyncset.done $0x0  }
0x9d: {  	[sflag:s20] =	ssyncadd.s32 s1;
	_ =	sdelay $0x1  }
0x9e: {  	s21 =	simm.s32 $0x1B8B  }
0x9f: {  	_ =	swait.ge [sflag:s21], $0x1  }
0xa0: {  	[sflag:s21] =	ssyncset.done $0x0  }
0xa1: {  	s23 =	simm.s32 $0x1B8E;
	s22 =	sld [smem:$0x3FFE];
	[sflag:s21] =	ssyncadd.s32 $0xFFFFFFFF  }
0xa2: {  	s24 =	simm.s32 $execute0_lowered;
	[smem:$0x3FD2] =	sst s23  }
0xa3: {  	s2 =	sshll.u32 s24, $0x1;
	_ =	strace $0x80000046;
	[dreg:$0x1] =	wrdreg $0xFFFFFFFF  }
0xa4: {  	s25 =	simm.s32 $_size_execute0_lowered;
	s0 =	sadd.s32 s0, s2;
	[dreg:$0x0] =	wrdreg $0x0  }
0xa5: {  	s2 =	sshll.u32 s25, $0x1;
	[dreg:$0x2] =	wrdreg s0  }
0xa6: {  	[dreg:$0x3] =	wrdreg s2  }
0xa7: {  	[dreg:$0x4] =	wrdreg $0xC0  }
0xa8: {  	_ =	task [dreg:s4], $0x5FFFF  }
0xa9: {  	[dreg:$0x1] =	wrdreg $0xFFFFFFFF  }
0xaa: {  	[dreg:$0x0] =	wrdreg $0x60  }
0xab: {  	[dreg:$0x2] =	wrdreg s22  }
0xac: {  	[dreg:$0x3] =	wrdreg $0x4D800  }
0xad: {  	[dreg:$0x4] =	wrdreg $0x4EC00  }
0xae: {  	[dreg:$0x5] =	wrdreg $0x9  }
0xaf: {  	_ =	task.clear_ibuf [dreg:s4], $0x6FFFF;
	_ =	strace $0x90000046  }
0xb0: {  	s26 =	simm.s32 $0x9;
	_ =	strace $0x80000048  }
0xb1: {  	_ =	swait.ge [sflag:s26], $0x1  }
0xb2: {  	[sflag:s26] =	ssyncadd.s32 $0xFFFFFFFF  }
0xb3: {  	_ =	strace $0x90000048  }
0xb4: {  	_ =	sfence  }
0xb5: {  	s28 =	sld [smem:$0x0];
	_ =	sdelay $0x1  }
0xb6: {  	s29 =	srdreg.scid  }
0xb7: {  	s30 =	sshll.u32 s29, $0xD;
	s31 =	sshrl.u32 s29, $0x2  }
0xb8: {  	s1 =	sand.u32 $0x1, s29;
	s2 =	sand.u32 $0x4000, s30;
	s0 =	sadd.s32 s31, s28  }
0xb9: {  	s1 =	sor.u32 s2, s1;
	s0 =	sshll.u32 s0, $0x11  }
0xba: {  	s0 =	sor.u32 s0, s1  }
0xbb: {  	s0 =	sadd.s32 $0x8F2B, s0  }
0xbc: {  	[sflag:s0] =	ssyncadd.remote.s32 $0x1  }
0xbd: {  	_ =	sfence.sel $0xFFFF  }
0xbe: {  	[dreg:$0x0] =	wrdreg $0xFFFFFFFF;
	(pc) =	sbr.abs _section_cstart, $3  }
0xbf: {  	[dreg:$0x1] =	wrdreg $0xFFFFFFFF  }
0xc0: {  	_ =	task.clear_ibuf [dreg:s4], $0x2FFFF;
	_ =	strace $0x9FFFFFFF  }
0xc1: {  	(tm) =	ssettm $0x7FFFFFFF  }
tec
execute0_lowered:
.L_overlay_start_1:
0x0: {  	(tag) =	ssettag $0x1  }
0x1: {  	s2 =	rddreg [dreg:$0x0]  }
0x2: {  	s5 =	rddreg [dreg:$0x1];
	s1 =	stileid.u32  }
0x3: {  	s3 =	rddreg [dreg:$0x2];
	s4 =	simm.s32 $0x0;
	s6 =	sshll.u32 s1, $0x7  }
0x4: {  	[smem:$0x7FF] =	sst s4;
	s6 =	sadd.s32 s6, s2  }
0x5: {  	s0 =	rddreg [dreg:$0x3];
	_ =	strace $0x80000047;
	s7 =	sadd.s32 $0x800, s6  }
0x6: {  	[tilespmem:s4], [sflag:$0x1] =	stream.linear.gather [hbm4b:s7+s4], $0x400, $0x38;
	[tilespmem:$0x53C0] =	vst v63  }
0x7: {  	s8 =	simm.s32 $0x400;
	s13 =	sadd.s32 $0x1000, s6  }
0x8: {  	[tilespmem:s8], [sflag:$0x1] =	stream.linear.gather [hbm4b:s13+s4], $0x400, $0x38;
	[tilespmem:$0x53C0] =	vst v63  }
0x9: {  	s15 =	simm.s32 $0x800;
	s14 =	sadd.s32 $0x1800, s6  }
0xa: {  	[tilespmem:s15], [sflag:$0x1] =	stream.linear.gather [hbm4b:s14+s4], $0x400, $0x38;
	[tilespmem:$0x53C0] =	vst v63  }
0xb: {  	s17 =	simm.s32 $0xC00;
	s16 =	sadd.s32 $0x2000, s6  }
0xc: {  	[tilespmem:s17], [sflag:$0x1] =	stream.linear.gather [hbm4b:s16+s4], $0x400, $0x38;
	[tilespmem:$0x53C0] =	vst v63  }
0xd: {  	s19 =	simm.s32 $0x1000;
	s18 =	sadd.s32 $0x2800, s6  }
0xe: {  	[tilespmem:s19], [sflag:$0x1] =	stream.linear.gather [hbm4b:s18+s4], $0x400, $0x38;
	[tilespmem:$0x53C0] =	vst v63  }
0xf: {  	s21 =	simm.s32 $0x1400;
	s20 =	sadd.s32 $0x3000, s6  }
0x10: {  	[tilespmem:s21], [sflag:$0x1] =	stream.linear.gather [hbm4b:s20+s4], $0x400, $0x38;
	[tilespmem:$0x53C0] =	vst v63  }
0x11: {  	s23 =	simm.s32 $0x1800;
	s22 =	sadd.s32 $0x3800, s6  }
0x12: {  	[tilespmem:s23], [sflag:$0x1] =	stream.linear.gather [hbm4b:s22+s4], $0x400, $0x38;
	[tilespmem:$0x53C0] =	vst v63  }
0x13: {  	s25 =	simm.s32 $0x1C00;
	s24 =	sadd.s32 $0x4000, s6  }
0x14: {  	[tilespmem:s25], [sflag:$0x1] =	stream.linear.gather [hbm4b:s24+s4], $0x400, $0x38;
	[tilespmem:$0x53C0] =	vst v63  }
0x15: {  	s28 =	simm.s32 $0x2000;
	s26 =	sadd.s32 $0x4800, s6  }
0x16: {  	[tilespmem:s28], [sflag:$0x1] =	stream.linear.gather [hbm4b:s26+s4], $0x400, $0x38;
	[tilespmem:$0x53C0] =	vst v63  }
0x17: {  	s30 =	simm.s32 $0x2400;
	s29 =	sadd.s32 $0x5000, s6  }
0x18: {  	[tilespmem:s30], [sflag:$0x1] =	stream.linear.gather [hbm4b:s29+s4], $0x400, $0x38;
	[tilespmem:$0x53C0] =	vst v63  }
0x19: {  	s31 =	simm.s32 $0x2800;
	s6 =	sadd.s32 $0x6000, s6  }
0x1a: {  	[tilespmem:s31], [sflag:$0x1] =	stream.linear.gather [hbm4b:s6+s4], $0x400, $0x38;
	[tilespmem:$0x53C0] =	vst v63  }
0x1b: {  	v0 =	vimm.f32 $0.0e+00;
	s4 =	simm.s32 $0x2C20  }
0x1c: {  	[tilespmem:s4+$0xFFFFFFE0] =	vst v0  }
0x1d: {  	[tilespmem:s4+$0x10] =	vst v0  }
0x1e: {  	s2 =	sadd.s32 $0x7000, s2;
	s6 =	simm.s32 $0x0;
	[tilespmem:s4+$0x0] =	vst v0  }
.LBB2_1:
0x1f: {  	s6 =	sadd.s32 $0x4, s6  }
0x20: {  	[tilespmem:s4+$0xFFFFFFF0] =	vst v0;
	s4 =	sadd.s32 $0x40, s4;
	p0 =	slt.u32 s6, $0x4C  }
.Ltmp0:
0x21: {  	[tilespmem:s4+$0xFFFFFFE0] =	vst v0;
	(pc) =	sbr.rel @p0 .LBB2_1-.Ltmp0, $3  }
0x22: {  	_ =	sdelay $0x1  }
0x23: {  	[tilespmem:s4+$0x10] =	vst v0  }
0x24: {  	[tilespmem:s4+$0x0] =	vst v0  }
0x25: {  	[tilespmem:s4+$0xFFFFFFF0] =	vst v0;
	s31 =	simm.s32 $0x1  }
0x26: {  	_ =	swait.ge [sflag:s31], $0x400  }
0x27: {  	[sflag:s31] =	ssyncset.done $0x0  }
0x28: {  	[sflag:s31] =	ssyncadd.s32 $0xFFFFFC00  }
0x29: {  	_ =	swait.ge [sflag:s31], $0x400  }
0x2a: {  	[sflag:s31] =	ssyncset.done $0x0  }
0x2b: {  	[sflag:s31] =	ssyncadd.s32 $0xFFFFFC00  }
0x2c: {  	_ =	swait.ge [sflag:s31], $0x400  }
0x2d: {  	[sflag:s31] =	ssyncset.done $0x0  }
0x2e: {  	[sflag:s31] =	ssyncadd.s32 $0xFFFFFC00  }
0x2f: {  	_ =	swait.ge [sflag:s31], $0x400  }
0x30: {  	[sflag:s31] =	ssyncset.done $0x0  }
0x31: {  	[sflag:s31] =	ssyncadd.s32 $0xFFFFFC00  }
0x32: {  	_ =	swait.ge [sflag:s31], $0x400  }
0x33: {  	[sflag:s31] =	ssyncset.done $0x0  }
0x34: {  	[sflag:s31] =	ssyncadd.s32 $0xFFFFFC00  }
0x35: {  	_ =	swait.ge [sflag:s31], $0x400  }
0x36: {  	[sflag:s31] =	ssyncset.done $0x0  }
0x37: {  	[sflag:s31] =	ssyncadd.s32 $0xFFFFFC00  }
0x38: {  	_ =	swait.ge [sflag:s31], $0x400  }
0x39: {  	[sflag:s31] =	ssyncset.done $0x0  }
0x3a: {  	[sflag:s31] =	ssyncadd.s32 $0xFFFFFC00  }
0x3b: {  	_ =	swait.ge [sflag:s31], $0x400  }
0x3c: {  	[sflag:s31] =	ssyncset.done $0x0  }
0x3d: {  	[sflag:s31] =	ssyncadd.s32 $0xFFFFFC00  }
0x3e: {  	_ =	swait.ge [sflag:s31], $0x400  }
0x3f: {  	[sflag:s31] =	ssyncset.done $0x0  }
0x40: {  	[sflag:s31] =	ssyncadd.s32 $0xFFFFFC00  }
0x41: {  	_ =	swait.ge [sflag:s31], $0x400  }
0x42: {  	[sflag:s31] =	ssyncset.done $0x0  }
0x43: {  	[sflag:s31] =	ssyncadd.s32 $0xFFFFFC00  }
0x44: {  	_ =	swait.ge [sflag:s31], $0x400  }
0x45: {  	[sflag:s31] =	ssyncset.done $0x0  }
0x46: {  	s4 =	simm.s32 $0x0;
	s6 =	simm.s32 $0x40;
	[sflag:s31] =	ssyncadd.s32 $0xFFFFFC00  }
.LBB2_3:
0x47: {  	v2 =	vld [tilespmem:s6+$0xFFFFFFC0]  }
0x48: {  	v3 =	vld [tilespmem:s6+$0xFFFFFFD0]  }
0x49: {  	v4 =	vld [tilespmem:s6+$0xFFFFFFE0]  }
0x4a: {  	v0 =	vld [tilespmem:s6+$0xFFFFFFF0]  }
0x4b: {  	v5 =	vimm.f32 $+Inf;
	v6 =	vimm.f32 $-Inf;
	v1 =	vld [tilespmem:s6+$0x0]  }
0x4c: {  	v5 =	vmin.f32 v5, v2;
	v6 =	vmax.f32 v6, v2;
	v2 =	vld [tilespmem:s6+$0x10]  }
0x4d: {  	v5 =	vmin.f32 v5, v3;
	v6 =	vmax.f32 v6, v3;
	v3 =	vld [tilespmem:s6+$0x20]  }
0x4e: {  	s7 =	simm.s32 $0x0;
	s8 =	sadd.s32 $0x80, s6;
	v5 =	vmin.f32 v5, v4;
	v6 =	vmax.f32 v6, v4;
	v4 =	vld [tilespmem:s6+$0x30]  }
.LBB2_4:
0x4f: {  	v7 =	vld [tilespmem:s8+$0xFFFFFFC0];
	s7 =	sadd.s32 $0x8, s7;
	v5 =	vmin.f32 v5, v0;
	v0 =	vmax.f32 v6, v0  }
0x50: {  	v6 =	vld [tilespmem:s8+$0xFFFFFFD0];
	p0 =	slt.u32 s7, $0x38;
	v5 =	vmin.f32 v5, v1;
	v0 =	vmax.f32 v0, v1  }
0x51: {  	v8 =	vld [tilespmem:s8+$0xFFFFFFE0];
	v1 =	vmin.f32 v5, v2;
	v2 =	vmax.f32 v0, v2  }
.Ltmp1:
0x52: {  	v0 =	vld [tilespmem:s8+$0xFFFFFFF0];
	v5 =	vmin.f32 v1, v3;
	v2 =	vmax.f32 v2, v3;
	(pc) =	sbr.rel @p0 .LBB2_4-.Ltmp1, $4  }
0x53: {  	v1 =	vld [tilespmem:s8+$0x0];
	v3 =	vmin.f32 v5, v4;
	v2 =	vmax.f32 v2, v4  }
0x54: {  	v3 =	vmin.f32 v3, v7;
	v4 =	vmax.f32 v2, v7;
	v2 =	vld [tilespmem:s8+$0x10]  }
0x55: {  	v5 =	vmin.f32 v3, v6;
	v4 =	vmax.f32 v4, v6;
	v3 =	vld [tilespmem:s8+$0x20]  }
0x56: {  	v5 =	vmin.f32 v5, v8;
	v6 =	vmax.f32 v4, v8;
	v4 =	vld [tilespmem:s8+$0x30];
	s8 =	sadd.s32 $0x80, s8  }
0x57: {  	v5 =	vmin.f32 v5, v0;
	s7 =	sshll.u32 s4, $0x4;
	s4 =	sadd.s32 $0x1, s4  }
0x58: {  	v62 =	vmax.f32 v6, v0;
	v5 =	vmin.f32 v5, v1;
	p0 =	sne.s32 s4, $0xA  }
.Ltmp2:
0x59: {  	v0 =	vmax.f32 v62, v1;
	v63 =	vmin.f32 v5, v2;
	(pc) =	sbr.rel @p0 .LBB2_3-.Ltmp2, $4  }
0x5a: {  	v0 =	vmax.f32 v0, v2;
	v1 =	vmin.f32 v63, v3  }
0x5b: {  	s7 =	sand.u32 $0x3FFFFFF0, s7;
	v0 =	vmax.f32 v0, v3;
	v1 =	vmin.f32 v1, v4  }
0x5c: {  	v0 =	vmax.f32 v0, v4;
	[tilespmem:s7+$0x3100] =	vst v1  }
0x5d: {  	s6 =	sadd.s32 $0x400, s6;
	[tilespmem:s7+$0x31A0] =	vst v0  }
0x5e: {  	s4 =	smul.u32 $0x500, s1;
	_ =	sdelay $0x1  }
0x5f: {  	s4 =	sshrl.u32 s4, $0x2  }
0x60: {  	s31 =	simm.s32 $0x2;
	s6 =	sadd.s32 s4, s5;
	s4 =	simm.s32 $0x3100  }
0x61: {  	[spmem:s6] =	stream.linear.scatter [tilespmem:s4], [sflag:$0x2], $0x140, $0x38;
	[tilespmem:$0x53C0] =	vst v63  }
0x62: {  	_ =	swait.ge [sflag:s31], $0x140  }
0x63: {  	[sflag:s31] =	ssyncset.done $0x0  }
0x64: {  	[sflag:s31] =	ssyncadd.s32 $0xFFFFFEC0  }
0x65: {  	s7 =	simm.s32 $0x3280;
	[bflag:$0x0] =	sbarrier.arrive $0xFFFF  }
0x66: {  	[tilespmem:s7], [sflag:$0x2] =	stream.linear.gather [spmem:s5], $0x1400, $0x38;
	[tilespmem:$0x53C0] =	vst v63  }
0x67: {  	_ =	swait.ge [sflag:s31], $0x1400  }
0x68: {  	[sflag:s31] =	ssyncset.done $0x0  }
0x69: {  	s5 =	simm.s32 $0x0;
	[sflag:s31] =	ssyncadd.s32 $0xFFFFEC00  }
0x6a: {  	v1 =	vld [tilespmem:s5+$0x4180]  }
0x6b: {  	v2 =	vld [tilespmem:s5+$0x4040]  }
0x6c: {  	v0 =	vld [tilespmem:s5+$0x3F00]  }
0x6d: {  	v3 =	vld [tilespmem:s5+$0x3DC0]  }
0x6e: {  	v4 =	vld [tilespmem:s5+$0x3C80]  }
0x6f: {  	v5 =	vld [tilespmem:s5+$0x3B40]  }
0x70: {  	v6 =	vld [tilespmem:s5+$0x3A00]  }
0x71: {  	v7 =	vld [tilespmem:s5+$0x38C0]  }
0x72: {  	v8 =	vld [tilespmem:s5+$0x3780]  }
0x73: {  	v9 =	vld [tilespmem:s5+$0x3640]  }
0x74: {  	v11 =	vld [tilespmem:s5+$0x3280]  }
0x75: {  	v12 =	vld [tilespmem:s5+$0x33C0]  }
0x76: {  	v10 =	vld [tilespmem:s5+$0x3500]  }
0x77: {  	v13 =	vld [tilespmem:s5+$0x42C0]  }
0x78: {  	v14 =	vld [tilespmem:s5+$0x4400]  }
0x79: {  	v15 =	vld [tilespmem:s5+$0x4540]  }
0x7a: {  	v16 =	vld [tilespmem:s5+$0x3820];
	v11 =	vmin.f32 v11, v12  }
0x7b: {  	v17 =	vld [tilespmem:s5+$0x3460];
	v10 =	vmin.f32 v11, v10  }
0x7c: {  	v19 =	vld [tilespmem:s5+$0x3320];
	v9 =	vmin.f32 v10, v9  }
0x7d: {  	v62 =	vld [tilespmem:s5+$0x3960];
	v8 =	vmin.f32 v9, v8  }
0x7e: {  	v18 =	vimm.s32 $0x67452301;
	v20 =	vld [tilespmem:s5+$0x4220];
	v10 =	vimm.s32 $0xEFCDAB89;
	v7 =	vmin.f32 v8, v7  }
0x7f: {  	v12 =	vld [tilespmem:s5+$0x36E0];
	v9 =	vunpack.c.l.s4.s8 v10;
	v10 =	vunpack.c.l.s4.s8 v18;
	v6 =	vmin.f32 v7, v6  }
0x80: {  	v11 =	vld [tilespmem:s5+$0x35A0];
	v5 =	vmin.f32 v6, v5  }
0x81: {  	v8 =	vld [tilespmem:s5+$0x3AA0];
	v7 =	vunpack.c.0.s8.s32 v9;
	v9 =	vunpack.c.0.s8.s32 v10;
	v4 =	vmin.f32 v5, v4  }
0x82: {  	v6 =	vld [tilespmem:s5+$0x3BE0];
	v3 =	vmin.f32 v4, v3  }
0x83: {  	v5 =	vld [tilespmem:s5+$0x3D20];
	v7 =	vcombine.low v9, v7;
	v3 =	vmin.f32 v3, v0  }
0x84: {  	v10 =	vimm.s32 $0x54761032;
	v9 =	vld [tilespmem:s5+$0x3FA0];
	v2 =	vmin.f32 v3, v2  }
0x85: {  	v4 =	vld [tilespmem:s5+$0x3E60];
	v0 =	vand.u32 $0xF, v7;
	v3 =	vimm.s32 $0xDCFE98BA;
	v1 =	vmin.f32 v2, v1  }
0x86: {  	v7 =	vld [tilespmem:s5+$0x40E0];
	v2 =	vunpack.c.l.s4.s8 v3;
	v3 =	vunpack.c.l.s4.s8 v10;
	v1 =	vmin.f32 v1, v13  }
0x87: {  	v10 =	vld [tilespmem:s5+$0x4360];
	v1 =	vmin.f32 v1, v14  }
0x88: {  	v13 =	vld [tilespmem:s5+$0x44A0];
	v2 =	vunpack.c.0.s8.s32 v2;
	v3 =	vunpack.c.0.s8.s32 v3;
	v14 =	vmin.f32 v1, v15  }
0x89: {  	v15 =	vld [tilespmem:s5+$0x45E0];
	[tilespmem:$0x3100] =	vst v14  }
0x8a: {  	v1 =	vcombine.low v3, v2;
	v2 =	vld.idx.msk [tilespmem:v0+s4+$0x0], $0xffff  }
0x8b: {  	v21 =	vimm.s32 $0x32107654;
	v3 =	vimm.s32 $0xBA98FEDC  }
0x8c: {  	v21 =	vunpack.c.l.s4.s8 v21;
	v3 =	vunpack.c.l.s4.s8 v3;
	v1 =	vand.u32 $0xF, v1;
	_ =	sdelay $0x1  }
0x8d: {  	v21 =	vunpack.c.0.s8.s32 v21;
	v3 =	vunpack.c.0.s8.s32 v3  }
0x8e: {  	v14 =	vmin.f32 v14, v2  }
0x8f: {  	v2 =	vcombine.low v21, v3;
	v3 =	vmax.f32 v19, v17;
	[tilespmem:$0x3100] =	vst v14  }
0x90: {  	v3 =	vmax.f32 v3, v11;
	v63 =	vld.idx.msk [tilespmem:v1+s4+$0x0], $0xffff  }
0x91: {  	v3 =	vmax.f32 v3, v12  }
0x92: {  	v11 =	vimm.s32 $0xFEDCBA98;
	v2 =	vand.u32 $0xF, v2;
	v3 =	vmax.f32 v3, v16  }
0x93: {  	v12 =	vimm.s32 $0x76543210;
	v11 =	vunpack.c.l.s4.s8 v11;
	v3 =	vmax.f32 v3, v62  }
0x94: {  	v12 =	vunpack.c.l.s4.s8 v12;
	v3 =	vmax.f32 v3, v8  }
0x95: {  	v11 =	vunpack.c.0.s8.s32 v11;
	v3 =	vmax.f32 v3, v6;
	v8 =	vmin.f32 v14, v63  }
0x96: {  	v12 =	vunpack.c.0.s8.s32 v12;
	v5 =	vmax.f32 v3, v5;
	[tilespmem:$0x3100] =	vst v8  }
0x97: {  	v6 =	vand.u32 $0xF, v11;
	v4 =	vmax.f32 v5, v4;
	v11 =	vld.idx.msk [tilespmem:v2+s4+$0x0], $0xffff  }
0x98: {  	v3 =	vcombine.low v6, v12;
	v4 =	vmax.f32 v4, v9  }
0x99: {  	v4 =	vmax.f32 v4, v7  }
0x9a: {  	v4 =	vmax.f32 v4, v20  }
0x9b: {  	v4 =	vmax.f32 v4, v10  }
0x9c: {  	v4 =	vmax.f32 v4, v13;
	v5 =	vmin.f32 v8, v11  }
0x9d: {  	v4 =	vmax.f32 v4, v15;
	[tilespmem:$0x3100] =	vst v5  }
0x9e: {  	v6 =	vld.idx.msk [tilespmem:v3+s4+$0x0], $0xffff;
	[tilespmem:$0x3100] =	vst v4  }
0x9f: {  	v7 =	vld.idx.msk [tilespmem:v0+s4+$0x0], $0xffff;
	_ =	sdelay $0x4  }
0xa0: {  	v4 =	vmax.f32 v4, v7  }
0xa1: {  	[tilespmem:$0x3100] =	vst v4  }
0xa2: {  	v7 =	vld.idx.msk [tilespmem:v1+s4+$0x0], $0xffff;
	_ =	sdelay $0x4  }
0xa3: {  	v4 =	vmax.f32 v4, v7  }
0xa4: {  	[tilespmem:$0x3100] =	vst v4  }
0xa5: {  	v7 =	vld.idx.msk [tilespmem:v2+s4+$0x0], $0xffff;
	_ =	sdelay $0x4  }
0xa6: {  	v10 =	vmax.f32 v4, v7  }
0xa7: {  	[tilespmem:$0x3100] =	vst v10  }
0xa8: {  	s7 =	simm.s32 $0x10;
	v12 =	vmin.f32 v5, v6;
	v11 =	vld.idx.msk [tilespmem:v3+s4+$0x0], $0xffff  }
0xa9: {  	v4 =	vld [tilespmem:s7+$0x4180];
	[tilespmem:s5+$0x4B80] =	vst v12  }
0xaa: {  	v5 =	vld [tilespmem:s7+$0x4040]  }
0xab: {  	v6 =	vld [tilespmem:s7+$0x3F00]  }
0xac: {  	v7 =	vld [tilespmem:s7+$0x3DC0]  }
0xad: {  	v8 =	vld [tilespmem:s7+$0x3C80]  }
0xae: {  	v9 =	vld [tilespmem:s7+$0x3B40];
	v11 =	vmax.f32 v10, v11  }
0xaf: {  	v10 =	vld [tilespmem:s7+$0x3A00];
	v13 =	vsub.f32 v11, v12  }
0xb0: {  	v11 =	vld [tilespmem:s7+$0x38C0]  }
0xb1: {  	s6 =	simm.s32 $0x80;
	v12 =	vld [tilespmem:s7+$0x3780];
	v13 =	vmax.f32 v13, $1.000000010e-10  }
.LBB2_7:
0xb2: {  	p0 =	sne.s32 s6, $0x240;
	v14 =	vld [tilespmem:s7+$0x3640];
	(erf) = vrcp.f32 v13;
	s8 =	smov.u32 s6;
	s6 =	sadd.s32 $0x40, s6  }
0xb3: {  	v13 =	vld [tilespmem:s7+$0x3500]  }
0xb4: {  	v15 =	vld [tilespmem:s7+$0x3280]  }
0xb5: {  	v16 =	vld [tilespmem:s7+$0x33C0]  }
0xb6: {  	v17 =	vld [tilespmem:s7+$0x42C0]  }
0xb7: {  	v18 =	vld [tilespmem:s7+$0x4400]  }
0xb8: {  	v19 =	vld [tilespmem:s7+$0x4540]  }
0xb9: {  	v20 =	vld [tilespmem:s7+$0x3820]  }
0xba: {  	v15 =	vmin.f32 v15, v16;
	v16 =	vld [tilespmem:s7+$0x36E0]  }
0xbb: {  	v13 =	vmin.f32 v15, v13;
	v15 =	vld [tilespmem:s7+$0x35A0];
	v21 =	vpop (erf)  }
0xbc: {  	v22 =	vld [tilespmem:s7+$0x3460];
	v13 =	vmin.f32 v13, v14;
	v14 =	vmul.f32 $6.400000000e+01, v21  }
0xbd: {  	v21 =	vld [tilespmem:s7+$0x3320];
	v12 =	vmin.f32 v13, v12  }
0xbe: {  	v11 =	vmin.f32 v12, v11;
	v12 =	vld [tilespmem:s7+$0x3AA0];
	[tilespmem:s5+$0x4C80] =	vst v14;
	s5 =	smov.u32 s7  }
0xbf: {  	v13 =	vld [tilespmem:s5+$0x3960];
	v10 =	vmin.f32 v11, v10  }
0xc0: {  	v9 =	vmin.f32 v10, v9;
	v10 =	vld [tilespmem:s5+$0x3BE0]  }
0xc1: {  	v8 =	vmin.f32 v9, v8;
	v9 =	vld [tilespmem:s5+$0x3D20]  }
0xc2: {  	v11 =	vmax.f32 v21, v22;
	v7 =	vmin.f32 v8, v7;
	v8 =	vld [tilespmem:s5+$0x3E60]  }
0xc3: {  	v11 =	vmax.f32 v11, v15;
	v6 =	vmin.f32 v7, v6;
	v7 =	vld [tilespmem:s5+$0x3FA0]  }
0xc4: {  	v11 =	vmax.f32 v11, v16;
	v5 =	vmin.f32 v6, v5;
	v6 =	vld [tilespmem:s5+$0x40E0]  }
0xc5: {  	v11 =	vmax.f32 v11, v20;
	v4 =	vmin.f32 v5, v4;
	v5 =	vld [tilespmem:s5+$0x4220]  }
0xc6: {  	v11 =	vmax.f32 v11, v13;
	v4 =	vmin.f32 v4, v17;
	v13 =	vld [tilespmem:s5+$0x4360]  }
0xc7: {  	v11 =	vmax.f32 v11, v12;
	v4 =	vmin.f32 v4, v18;
	v12 =	vld [tilespmem:s5+$0x44A0]  }
0xc8: {  	v10 =	vmax.f32 v11, v10;
	v4 =	vmin.f32 v4, v19;
	v11 =	vld [tilespmem:s5+$0x45E0]  }
0xc9: {  	v9 =	vmax.f32 v10, v9;
	[tilespmem:$0x3100] =	vst v4  }
0xca: {  	v8 =	vmax.f32 v9, v8;
	v9 =	vld.idx.msk [tilespmem:v0+s4+$0x0], $0xffff  }
0xcb: {  	v7 =	vmax.f32 v8, v7  }
0xcc: {  	v6 =	vmax.f32 v7, v6  }
0xcd: {  	v5 =	vmax.f32 v6, v5  }
0xce: {  	v5 =	vmax.f32 v5, v13  }
0xcf: {  	v5 =	vmax.f32 v5, v12  }
0xd0: {  	v4 =	vmin.f32 v4, v9  }
0xd1: {  	[tilespmem:$0x3100] =	vst v4  }
0xd2: {  	v6 =	vld.idx.msk [tilespmem:v1+s4+$0x0], $0xffff;
	_ =	sdelay $0x5  }
0xd3: {  	v4 =	vmin.f32 v4, v6  }
0xd4: {  	[tilespmem:$0x3100] =	vst v4  }
0xd5: {  	v6 =	vld.idx.msk [tilespmem:v2+s4+$0x0], $0xffff;
	_ =	sdelay $0x5  }
0xd6: {  	v4 =	vmin.f32 v4, v6  }
0xd7: {  	v5 =	vmax.f32 v5, v11;
	[tilespmem:$0x3100] =	vst v4  }
0xd8: {  	v6 =	vld.idx.msk [tilespmem:v3+s4+$0x0], $0xffff  }
0xd9: {  	[tilespmem:$0x3100] =	vst v5  }
0xda: {  	v7 =	vld.idx.msk [tilespmem:v0+s4+$0x0], $0xffff;
	_ =	sdelay $0x5  }
0xdb: {  	v5 =	vmax.f32 v5, v7  }
0xdc: {  	[tilespmem:$0x3100] =	vst v5  }
0xdd: {  	v7 =	vld.idx.msk [tilespmem:v1+s4+$0x0], $0xffff;
	_ =	sdelay $0x5  }
0xde: {  	v5 =	vmax.f32 v5, v7  }
0xdf: {  	[tilespmem:$0x3100] =	vst v5  }
0xe0: {  	v7 =	vld.idx.msk [tilespmem:v2+s4+$0x0], $0xffff;
	_ =	sdelay $0x5  }
0xe1: {  	v10 =	vmax.f32 v5, v7  }
0xe2: {  	[tilespmem:$0x3100] =	vst v10  }
0xe3: {  	s7 =	sshra.s32 s8, $0x2;
	v11 =	vmin.f32 v4, v6;
	v12 =	vld.idx.msk [tilespmem:v3+s4+$0x0], $0xffff  }
0xe4: {  	v4 =	vld [tilespmem:s7+$0x4180];
	[tilespmem:s5+$0x4B80] =	vst v11  }
0xe5: {  	v5 =	vld [tilespmem:s7+$0x4040]  }
0xe6: {  	v6 =	vld [tilespmem:s7+$0x3F00]  }
0xe7: {  	v7 =	vld [tilespmem:s7+$0x3DC0]  }
.Ltmp3:
0xe8: {  	v8 =	vld [tilespmem:s7+$0x3C80];
	(pc) =	sbr.rel @p0 .LBB2_7-.Ltmp3, $4  }
0xe9: {  	v12 =	vmax.f32 v10, v12;
	v9 =	vld [tilespmem:s7+$0x3B40]  }
0xea: {  	v13 =	vsub.f32 v12, v11;
	v10 =	vld [tilespmem:s7+$0x3A00]  }
0xeb: {  	v11 =	vld [tilespmem:s7+$0x38C0]  }
0xec: {  	v13 =	vmax.f32 v13, $1.000000010e-10;
	v12 =	vld [tilespmem:s7+$0x3780]  }
0xed: {  	v14 =	vld [tilespmem:s7+$0x3640];
	(erf) = vrcp.f32 v13  }
0xee: {  	v15 =	vld [tilespmem:s7+$0x3280]  }
0xef: {  	v16 =	vld [tilespmem:s7+$0x33C0]  }
0xf0: {  	v40 =	vld [tilespmem:s7+$0x3500]  }
0xf1: {  	v17 =	vld [tilespmem:s7+$0x42C0]  }
0xf2: {  	v18 =	vld [tilespmem:s7+$0x4400]  }
0xf3: {  	v19 =	vld [tilespmem:s7+$0x4540]  }
0xf4: {  	v20 =	vld [tilespmem:s7+$0x3820];
	v15 =	vmin.f32 v15, v16  }
0xf5: {  	v21 =	vld [tilespmem:s7+$0x36E0];
	v13 =	vmin.f32 v15, v40  }
0xf6: {  	v41 =	vld [tilespmem:s7+$0x35A0];
	v13 =	vmin.f32 v13, v14;
	v42 =	vpop (erf)  }
0xf7: {  	v22 =	vld [tilespmem:s7+$0x3460];
	v12 =	vmin.f32 v13, v12;
	v43 =	vmul.f32 $6.400000000e+01, v42  }
0xf8: {  	v44 =	vld [tilespmem:s7+$0x3320];
	v11 =	vmin.f32 v12, v11  }
0xf9: {  	v45 =	vld [tilespmem:s7+$0x3AA0];
	v10 =	vmin.f32 v11, v10;
	[tilespmem:s5+$0x4C80] =	vst v43  }
0xfa: {  	v9 =	vmin.f32 v10, v9;
	v46 =	vld [tilespmem:s7+$0x3960]  }
0xfb: {  	v8 =	vmin.f32 v9, v8;
	v47 =	vld [tilespmem:s7+$0x3BE0]  }
0xfc: {  	v48 =	vld [tilespmem:s7+$0x3D20];
	v7 =	vmin.f32 v8, v7  }
0xfd: {  	v49 =	vld [tilespmem:s7+$0x3E60];
	v6 =	vmin.f32 v7, v6  }
0xfe: {  	v50 =	vld [tilespmem:s7+$0x3FA0];
	v5 =	vmin.f32 v6, v5  }
0xff: {  	v51 =	vld [tilespmem:s7+$0x40E0];
	v4 =	vmin.f32 v5, v4  }
0x100: {  	v52 =	vld [tilespmem:s7+$0x4220];
	v4 =	vmin.f32 v4, v17  }
0x101: {  	v53 =	vld [tilespmem:s7+$0x4360];
	v4 =	vmin.f32 v4, v18  }
0x102: {  	v14 =	vld [tilespmem:s7+$0x44A0];
	v4 =	vmin.f32 v4, v19  }
0x103: {  	v54 =	vld [tilespmem:s7+$0x45E0];
	[tilespmem:$0x3100] =	vst v4  }
0x104: {  	v55 =	vld.idx.msk [tilespmem:v0+s4+$0x0], $0xffff;
	_ =	sdelay $0x4  }
0x105: {  	v4 =	vmin.f32 v4, v55  }
0x106: {  	v15 =	vmax.f32 v44, v22;
	[tilespmem:$0x3100] =	vst v4  }
0x107: {  	v15 =	vmax.f32 v15, v41;
	v56 =	vld.idx.msk [tilespmem:v1+s4+$0x0], $0xffff  }
0x108: {  	v15 =	vmax.f32 v15, v21  }
0x109: {  	v15 =	vmax.f32 v15, v20  }
0x10a: {  	v12 =	vmax.f32 v15, v46  }
0x10b: {  	v12 =	vmax.f32 v12, v45  }
0x10c: {  	v10 =	vmax.f32 v12, v47;
	v4 =	vmin.f32 v4, v56  }
0x10d: {  	v9 =	vmax.f32 v10, v48;
	[tilespmem:$0x3100] =	vst v4  }
0x10e: {  	v8 =	vmax.f32 v9, v49;
	v57 =	vld.idx.msk [tilespmem:v2+s4+$0x0], $0xffff  }
0x10f: {  	v7 =	vmax.f32 v8, v50  }
0x110: {  	v6 =	vmax.f32 v7, v51  }
0x111: {  	v5 =	vmax.f32 v6, v52  }
0x112: {  	v5 =	vmax.f32 v5, v53  }
0x113: {  	v5 =	vmax.f32 v5, v14;
	v4 =	vmin.f32 v4, v57  }
0x114: {  	v5 =	vmax.f32 v5, v54;
	[tilespmem:$0x3100] =	vst v4  }
0x115: {  	v58 =	vld.idx.msk [tilespmem:v3+s4+$0x0], $0xffff;
	[tilespmem:$0x3100] =	vst v5  }
0x116: {  	v59 =	vld.idx.msk [tilespmem:v0+s4+$0x0], $0xffff;
	_ =	sdelay $0x4  }
0x117: {  	v0 =	vmax.f32 v5, v59  }
0x118: {  	[tilespmem:$0x3100] =	vst v0  }
0x119: {  	v60 =	vld.idx.msk [tilespmem:v1+s4+$0x0], $0xffff;
	_ =	sdelay $0x4  }
0x11a: {  	v0 =	vmax.f32 v0, v60  }
0x11b: {  	[tilespmem:$0x3100] =	vst v0  }
0x11c: {  	v61 =	vld.idx.msk [tilespmem:v2+s4+$0x0], $0xffff;
	_ =	sdelay $0x4  }
0x11d: {  	v0 =	vmax.f32 v0, v61  }
0x11e: {  	[tilespmem:$0x3100] =	vst v0  }
0x11f: {  	v62 =	vld.idx.msk [tilespmem:v3+s4+$0x0], $0xffff;
	_ =	sdelay $0x4  }
0x120: {  	v63 =	vmin.f32 v4, v58;
	v0 =	vmax.f32 v0, v62  }
0x121: {  	v0 =	vsub.f32 v0, v63;
	_ =	sdelay $0x1  }
0x122: {  	v0 =	vmax.f32 v0, $1.000000010e-10  }
0x123: {  	(erf) = vrcp.f32 v0;
	_ =	sdelay $0x8  }
0x124: {  	v0 =	vpop (erf)  }
0x125: {  	v0 =	vmul.f32 $6.400000000e+01, v0  }
0x126: {  	[tilespmem:s7+$0x4B80] =	vst v63  }
0x127: {  	s6 =	simm.s32 $0x2C00;
	s5 =	simm.s32 $0x40;
	s4 =	simm.s32 $0x0;
	[tilespmem:s7+$0x4C80] =	vst v0  }
.LBB2_9:
0x128: {  	v1 =	vld [tilespmem:s5+$0xFFFFFFC0]  }
0x129: {  	v4 =	vld [tilespmem:s5+$0xFFFFFFD0]  }
0x12a: {  	v6 =	vld [tilespmem:s5+$0x10]  }
0x12b: {  	v7 =	vld [tilespmem:s5+$0x20]  }
0x12c: {  	v8 =	vld [tilespmem:s5+$0x0]  }
0x12d: {  	s7 =	sshll.u32 s4, $0x4;
	v10 =	vld [tilespmem:s5+$0xFFFFFFE0]  }
0x12e: {  	v2 =	vld [tilespmem:s7+$0x4B80]  }
0x12f: {  	v3 =	vld [tilespmem:s7+$0x4C80];
	s7 =	simm.s32 $0x2840  }
0x130: {  	v0 =	vld [tilespmem:s7+$0x30]  }
0x131: {  	v14 =	vld [tilespmem:s7+$0x10]  }
0x132: {  	v12 =	vld [tilespmem:s5+$0xFFFFFFF0]  }
0x133: {  	v5 =	vld [tilespmem:s5+$0x30];
	v1 =	vsub.f32 v1, v2  }
0x134: {  	v4 =	vsub.f32 v4, v2;
	v6 =	vsub.f32 v6, v2  }
0x135: {  	v7 =	vsub.f32 v7, v2;
	v8 =	vsub.f32 v8, v2  }
0x136: {  	v10 =	vsub.f32 v10, v2;
	v9 =	vmul.f32 $4.882812500e-04, v0;
	v18 =	vmul.f32 $4.882812500e-04, v14  }
0x137: {  	v16 =	vsub.f32 v12, v2;
	v11 =	vmul.f32 v1, v3;
	v4 =	vmul.f32 v4, v3  }
0x138: {  	v5 =	vsub.f32 v5, v2;
	v10 =	vmul.f32 v10, v3;
	v8 =	vmul.f32 v8, v3  }
0x139: {  	v16 =	vmul.f32 v16, v3;
	v1 =	vadd.f32 $1.000000000e+00, v9;
	v9 =	vtrunc.f32 v11  }
0x13a: {  	v11 =	vcvt.f32.s32 v9;
	v9 =	vmul.f32 v6, v3  }
0x13b: {  	v6 =	vmul.f32 v7, v3;
	v7 =	vmul.f32 v5, v3  }
0x13c: {  	s8 =	sshll.u32 s4, $0x6;
	v4 =	vtrunc.f32 v4;
	v8 =	vtrunc.f32 v8  }
0x13d: {  	v13 =	vld [tilespmem:s7+$0xFFFFFFD0];
	v0 =	vmov s8;
	v4 =	vcvt.f32.s32 v4;
	v7 =	vtrunc.f32 v7  }
0x13e: {  	v16 =	vtrunc.f32 v16;
	v5 =	vld [tilespmem:s7+$0x0];
	vm0 =	vlt.s32 v11, $0x3F;
	v17 =	vcvt.f32.s32 v7  }
0x13f: {  	v14 =	vld [tilespmem:s7+$0xFFFFFFC0];
	vm14 =	vlt.s32 v4, $0x3F;
	v15 =	vtrunc.f32 v6;
	v11 =	vnsel vm0, $0x3F, v11  }
0x140: {  	v4 =	vnsel vm14, $0x3F, v4;
	v7 =	vld [tilespmem:s7+$0xFFFFFFE0];
	v12 =	vcvt.f32.s32 v15;
	vm15 =	vlt.s32 v17, $0x3F  }
0x141: {  	v15 =	vtrunc.f32 v10;
	v10 =	vld [tilespmem:s7+$0xFFFFFFF0];
	v6 =	vadd.s32 v0, v4;
	v19 =	vnsel vm15, $0x3F, v17  }
0x142: {  	s9 =	sadd.s32 $0x80, s5;
	s8 =	simm.s32 $0x0;
	v4 =	vadd.s32 v0, v11;
	v11 =	vld [tilespmem:s7+$0x20];
	v17 =	vcvt.f32.s32 v8;
	v8 =	vadd.s32 v0, v19  }
.LBB2_10:
0x143: {  	v19 =	vld [tilespmem:s9+$0x30];
	s8 =	sadd.s32 $0x8, s8;
	v5 =	vmul.f32 $4.882812500e-04, v5;
	v9 =	vtrunc.f32 v9;
	v18 =	vadd.f32 $1.000000000e+00, v18;
	s7 =	sadd.s32 $0x80, s7  }
0x144: {  	v15 =	vcvt.f32.s32 v15;
	v20 =	vld [tilespmem:s7+$0x10];
	p0 =	slt.u32 s8, $0x38;
	vm0 =	vlt.s32 v17, $0x3F;
	v9 =	vcvt.f32.s32 v9  }
0x145: {  	v13 =	vmul.f32 $4.882812500e-04, v13;
	v21 =	vld [tilespmem:s7+$0x30];
	v17 =	vnsel vm0, $0x3F, v17;
	v22 =	vadd.f32 $1.000000000e+00, v5  }
0x146: {  	v16 =	vcvt.f32.s32 v16;
	vm0 =	vlt.s32 v12, $0x3F;
	v5 =	vld [tilespmem:s9+$0xFFFFFFD0];
	v17 =	vadd.s32 v0, v17  }
0x147: {  	vm1 =	vlt.s32 v15, $0x3F;
	vm2 =	vlt.s32 v9, $0x3F;
	v12 =	vnsel vm0, $0x3F, v12;
	v23 =	vld [tilespmem:s9+$0xFFFFFFC0]  }
0x148: {  	v10 =	vmul.f32 $4.882812500e-04, v10;
	v15 =	vnsel vm1, $0x3F, v15;
	v9 =	vnsel vm2, $0x3F, v9;
	v24 =	vld [tilespmem:s9+$0x10]  }
0x149: {  	v11 =	vmul.f32 $4.882812500e-04, v11;
	v14 =	vmul.f32 $4.882812500e-04, v14;
	v15 =	vadd.s32 v0, v15;
	v25 =	vld [tilespmem:s9+$0x0]  }
0x14a: {  	v13 =	vadd.f32 $1.000000000e+00, v13;
	v9 =	vadd.s32 v0, v9;
	v26 =	vld [tilespmem:s9+$0x20];
	v21 =	vmul.f32 $4.882812500e-04, v21  }
0x14b: {  	v7 =	vmul.f32 $4.882812500e-04, v7;
	vm0 =	vlt.s32 v16, $0x3F;
	v11 =	vadd.f32 $1.000000000e+00, v11;
	v27 =	vld [tilespmem:s9+$0xFFFFFFE0]  }
0x14c: {  	v14 =	vadd.f32 $1.000000000e+00, v14;
	v23 =	vsub.f32 v23, v2;
	[tilespmem:v6+s6+$0x0] =	vst.idx.add.f32.msk $0xffff, v13;
	v6 =	vnsel vm0, $0x3F, v16  }
0x14d: {  	v12 =	vadd.s32 v0, v12;
	v13 =	vsub.f32 v5, v2;
	v5 =	vld [tilespmem:s7+$0x0];
	v6 =	vadd.s32 v0, v6  }
0x14e: {  	v10 =	vadd.f32 $1.000000000e+00, v10;
	v16 =	vmul.f32 v23, v3;
	v23 =	vsub.f32 v24, v2;
	[tilespmem:v8+s6+$0x0] =	vst.idx.add.f32.msk $0xffff, v1  }
0x14f: {  	v7 =	vadd.f32 $1.000000000e+00, v7;
	v8 =	vmul.f32 v13, v3;
	v1 =	vadd.f32 $1.000000000e+00, v21;
	[tilespmem:v9+s6+$0x0] =	vst.idx.add.f32.msk $0xffff, v18  }
0x150: {  	v13 =	vsub.f32 v26, v2;
	v9 =	vtrunc.f32 v16;
	v16 =	vsub.f32 v19, v2;
	[tilespmem:v4+s6+$0x0] =	vst.idx.add.f32.msk $0xffff, v14  }
0x151: {  	v18 =	vsub.f32 v25, v2;
	v8 =	vtrunc.f32 v8;
	v4 =	vcvt.f32.s32 v9;
	v14 =	vld [tilespmem:s9+$0xFFFFFFF0]  }
0x152: {  	v19 =	vsub.f32 v27, v2;
	v8 =	vcvt.f32.s32 v8;
	v9 =	vmul.f32 v23, v3;
	[tilespmem:v6+s6+$0x0] =	vst.idx.add.f32.msk $0xffff, v10  }
0x153: {  	v6 =	vmul.f32 v13, v3;
	v10 =	vmul.f32 v16, v3;
	vm0 =	vlt.s32 v4, $0x3F;
	[tilespmem:v12+s6+$0x0] =	vst.idx.add.f32.msk $0xffff, v11  }
0x154: {  	v11 =	vmul.f32 v19, v3;
	v4 =	vnsel vm0, $0x3F, v4;
	vm0 =	vlt.s32 v8, $0x3F;
	[tilespmem:v17+s6+$0x0] =	vst.idx.add.f32.msk $0xffff, v22  }
0x155: {  	v12 =	vtrunc.f32 v6;
	v10 =	vtrunc.f32 v10;
	v8 =	vnsel vm0, $0x3F, v8;
	[tilespmem:v15+s6+$0x0] =	vst.idx.add.f32.msk $0xffff, v7  }
.Ltmp4:
0x156: {  	v13 =	vld [tilespmem:s7+$0xFFFFFFD0];
	v6 =	vadd.s32 v0, v8;
	v8 =	vsub.f32 v14, v2;
	v14 =	vcvt.f32.s32 v10;
	(pc) =	sbr.rel @p0 .LBB2_10-.Ltmp4, $4  }
0x157: {  	v16 =	vmul.f32 v18, v3;
	v4 =	vadd.s32 v0, v4;
	v12 =	vcvt.f32.s32 v12;
	v7 =	vld [tilespmem:s7+$0xFFFFFFE0]  }
0x158: {  	v15 =	vtrunc.f32 v11;
	v10 =	vld [tilespmem:s7+$0xFFFFFFF0];
	v8 =	vmul.f32 v8, v3;
	vm0 =	vlt.s32 v14, $0x3F  }
0x159: {  	v18 =	vmul.f32 $4.882812500e-04, v20;
	v17 =	vtrunc.f32 v16;
	v11 =	vld [tilespmem:s7+$0x20];
	v19 =	vnsel vm0, $0x3F, v14  }
0x15a: {  	s9 =	sadd.s32 $0x80, s9;
	v17 =	vcvt.f32.s32 v17;
	v14 =	vld [tilespmem:s7+$0xFFFFFFC0];
	v16 =	vtrunc.f32 v8;
	v8 =	vadd.s32 v0, v19  }
0x15b: {  	v2 =	vtrunc.f32 v9;
	v54 =	vcvt.f32.s32 v15  }
0x15c: {  	v55 =	vcvt.f32.s32 v16;
	v13 =	vmul.f32 $4.882812500e-04, v13  }
0x15d: {  	vm14 =	vlt.s32 v12, $0x3F;
	v59 =	vmul.f32 $4.882812500e-04, v5;
	vm0 =	vlt.s32 v17, $0x3F  }
0x15e: {  	v2 =	vcvt.f32.s32 v2;
	v12 =	vnsel vm14, $0x3F, v12;
	v56 =	vnsel vm0, $0x3F, v17  }
0x15f: {  	vm13 =	vlt.s32 v55, $0x3F;
	v13 =	vadd.f32 $1.000000000e+00, v13;
	v57 =	vadd.s32 v0, v12  }
0x160: {  	vm15 =	vlt.s32 v54, $0x3F;
	vm1 =	vlt.s32 v2, $0x3F;
	v11 =	vmul.f32 $4.882812500e-04, v11  }
0x161: {  	v16 =	vadd.s32 v0, v56;
	v2 =	vnsel vm1, $0x3F, v2;
	v14 =	vmul.f32 $4.882812500e-04, v14  }
0x162: {  	[tilespmem:v8+s6+$0x0] =	vst.idx.add.f32.msk $0xffff, v1;
	v15 =	vnsel vm13, $0x3F, v55;
	v2 =	vadd.s32 v0, v2;
	v63 =	vadd.f32 $1.000000000e+00, v11  }
0x163: {  	s4 =	sadd.s32 $0x1, s4;
	v9 =	vnsel vm15, $0x3F, v54;
	v15 =	vadd.s32 v0, v15;
	[tilespmem:v6+s6+$0x0] =	vst.idx.add.f32.msk $0xffff, v13;
	v58 =	vadd.f32 $1.000000000e+00, v14  }
0x164: {  	p0 =	sne.s32 s4, $0xA;
	v10 =	vmul.f32 $4.882812500e-04, v10;
	v1 =	vadd.f32 $1.000000000e+00, v59;
	v60 =	vadd.s32 v0, v9;
	[tilespmem:v57+s6+$0x0] =	vst.idx.add.f32.msk $0xffff, v63  }
.Ltmp5:
0x165: {  	v3 =	vadd.f32 $1.000000000e+00, v18;
	v62 =	vmul.f32 $4.882812500e-04, v7;
	[tilespmem:v4+s6+$0x0] =	vst.idx.add.f32.msk $0xffff, v58;
	(pc) =	sbr.rel @p0 .LBB2_9-.Ltmp5, $4  }
0x166: {  	v61 =	vadd.f32 $1.000000000e+00, v10;
	[tilespmem:v16+s6+$0x0] =	vst.idx.add.f32.msk $0xffff, v1  }
0x167: {  	[tilespmem:v2+s6+$0x0] =	vst.idx.add.f32.msk $0xffff, v3;
	v2 =	vadd.f32 $1.000000000e+00, v62  }
0x168: {  	[tilespmem:v15+s6+$0x0] =	vst.idx.add.f32.msk $0xffff, v61  }
0x169: {  	s5 =	sadd.s32 $0x400, s5;
	[tilespmem:v60+s6+$0x0] =	vst.idx.add.f32.msk $0xffff, v2  }
0x16a: {  	s6 =	simm.s32 $0x2C00  }
0x16b: {  	v3 =	vld [tilespmem:s6+$0x10]  }
0x16c: {  	v4 =	vld [tilespmem:s6+$0x30]  }
0x16d: {  	v10 =	vld [tilespmem:s6+$0x20];
	_ =	sdelay $0x1  }
0x16e: {  	v2 =	vld [tilespmem:s6+$0x0]  }
0x16f: {  	v0 =	vtrunc.f32 v3  }
0x170: {  	v5 =	vcvt.f32.s32 v0  }
0x171: {  	v6 =	vtrunc.f32 v10;
	v0 =	vtrunc.f32 v4  }
0x172: {  	s4 =	simm.s32 $0x2C40;
	v7 =	vcvt.f32.s32 v0;
	v5 =	vcvt.s32.f32 v5  }
0x173: {  	v1 =	vld [tilespmem:s4+$0x10];
	v8 =	vtrunc.f32 v2;
	v6 =	vcvt.f32.s32 v6  }
0x174: {  	v9 =	vcvt.f32.s32 v8;
	v0 =	vld [tilespmem:s4+$0x20];
	v11 =	vcvt.s32.f32 v7;
	v8 =	vsub.f32 v3, v5  }
0x175: {  	v3 =	vld [tilespmem:s4+$0x30]  }
0x176: {  	v12 =	vcvt.s32.f32 v6;
	v7 =	vmul.f32 $2.048000000e+03, v8;
	v8 =	vsub.f32 v4, v11;
	v4 =	vld [tilespmem:s4+$0x0]  }
0x177: {  	[tilespmem:s6+$0x10] =	vst v5  }
0x178: {  	s5 =	simm.s32 $0x0;
	v9 =	vcvt.s32.f32 v9;
	v5 =	vtrunc.f32 v1;
	[tilespmem:s6+$0x20] =	vst v12  }
0x179: {  	s8 =	simm.s32 $0x4;
	s9 =	simm.s32 $0x2C80;
	s7 =	simm.s32 $0x0;
	v10 =	vsub.f32 v10, v12;
	v5 =	vcvt.f32.s32 v5;
	[tilespmem:s6+$0x30] =	vst v11;
	v6 =	vtrunc.f32 v0  }
.LBB2_13:
0x17a: {  	v11 =	vld [tilespmem:s9+$0x10];
	s8 =	sadd.s32 $0x4, s8;
	v12 =	vtrunc.f32 v3;
	[tilespmem:s6+$0x290] =	vst v7;
	v7 =	vmul.f32 $2.048000000e+03, v8;
	s5 =	sadd.s32 $0x40, s5  }
0x17b: {  	v13 =	vld [tilespmem:s9+$0x30];
	p0 =	slt.u32 s8, $0x24;
	v8 =	vcvt.f32.s32 v12;
	[tilespmem:s6+$0x0] =	vst v9;
	v9 =	vsub.f32 v2, v9;
	v10 =	vmul.f32 $2.048000000e+03, v10;
	v2 =	vmovc v4  }
0x17c: {  	v5 =	vcvt.s32.f32 v5;
	v12 =	vld [tilespmem:s9+$0x20];
	v14 =	vtrunc.f32 v2;
	[tilespmem:s6+$0x2B0] =	vst v7  }
.Ltmp6:
0x17d: {  	v6 =	vcvt.f32.s32 v6;
	s10 =	sand.u32 $0x3C0, s7;
	s7 =	smov.u32 s5;
	v4 =	vld [tilespmem:s9+$0x0];
	v7 =	vmul.f32 $2.048000000e+03, v9;
	[tilespmem:s6+$0x2A0] =	vst v10;
	(pc) =	sbr.rel @p0 .LBB2_13-.Ltmp6, $4  }
0x17e: {  	v9 =	vcvt.f32.s32 v14;
	v10 =	vsub.f32 v1, v5;
	v8 =	vcvt.s32.f32 v8;
	s6 =	smov.u32 s4;
	[tilespmem:s4+$0x10] =	vst v5;
	s4 =	smov.u32 s9  }
0x17f: {  	v14 =	vcvt.s32.f32 v6;
	v5 =	vtrunc.f32 v11;
	[tilespmem:s10+$0x2E80] =	vst v7;
	v1 =	vmov v11  }
0x180: {  	v7 =	vmul.f32 $2.048000000e+03, v10;
	v5 =	vcvt.f32.s32 v5;
	[tilespmem:s6+$0x30] =	vst v8;
	v8 =	vsub.f32 v3, v8;
	v3 =	vmovc v13  }
0x181: {  	s9 =	sadd.s32 $0x40, s9;
	v9 =	vcvt.s32.f32 v9;
	v10 =	vsub.f32 v0, v14;
	v6 =	vtrunc.f32 v12;
	[tilespmem:s6+$0x20] =	vst v14;
	v0 =	vmovc v12  }
0x182: {  	v11 =	vtrunc.f32 v3;
	[tilespmem:s6+$0x290] =	vst v7;
	v27 =	vmul.f32 $2.048000000e+03, v8  }
0x183: {  	v5 =	vcvt.s32.f32 v5;
	v6 =	vcvt.f32.s32 v6;
	[tilespmem:s6+$0x0] =	vst v9  }
0x184: {  	v30 =	vtrunc.f32 v4;
	v2 =	vsub.f32 v2, v9;
	v29 =	vmul.f32 $2.048000000e+03, v10;
	[tilespmem:s6+$0x2B0] =	vst v27  }
0x185: {  	v28 =	vcvt.f32.s32 v11;
	[tilespmem:s4+$0x10] =	vst v5;
	v6 =	vcvt.s32.f32 v6  }
0x186: {  	v31 =	vcvt.f32.s32 v30;
	v2 =	vmul.f32 $2.048000000e+03, v2;
	[tilespmem:s6+$0x2A0] =	vst v29  }
0x187: {  	s18 =	sand.u32 $0x3C0, s7;
	v1 =	vsub.f32 v1, v5;
	v32 =	vcvt.s32.f32 v28;
	[tilespmem:s4+$0x20] =	vst v6  }
0x188: {  	v34 =	vcvt.s32.f32 v31;
	v0 =	vsub.f32 v0, v6;
	[tilespmem:s18+$0x2E80] =	vst v2  }
0x189: {  	v1 =	vmul.f32 $2.048000000e+03, v1;
	[tilespmem:s4+$0x30] =	vst v32;
	v33 =	vsub.f32 v3, v32  }
0x18a: {  	v36 =	vsub.f32 v4, v34;
	[tilespmem:s4+$0x0] =	vst v34;
	v0 =	vmul.f32 $2.048000000e+03, v0  }
0x18b: {  	s19 =	smul.u32 $0x1400, s1;
	[tilespmem:s4+$0x290] =	vst v1;
	v35 =	vmul.f32 $2.048000000e+03, v33  }
0x18c: {  	s5 =	sadd.s32 $0x40, s5;
	v37 =	vmul.f32 $2.048000000e+03, v36;
	[tilespmem:s4+$0x2A0] =	vst v0  }
0x18d: {  	s5 =	sand.u32 $0x3C0, s5;
	s20 =	sshrl.u32 s19, $0x2;
	[tilespmem:s4+$0x2B0] =	vst v35  }
0x18e: {  	[tilespmem:s5+$0x2E80] =	vst v37;
	s4 =	sadd.s32 s20, s3;
	s5 =	simm.s32 $0x2C00  }
0x18f: {  	[spmem:s4] =	stream.linear.scatter [tilespmem:s5], [sflag:$0x2], $0x500, $0x38;
	[tilespmem:$0x53C0] =	vst v63  }
0x190: {  	s4 =	simm.s32 $0x2  }
0x191: {  	_ =	swait.ge [sflag:s4], $0x500  }
0x192: {  	s6 =	smul.u32 $0x50, s1;
	[sflag:s4] =	ssyncset.done $0x0  }
0x193: {  	[sflag:s4] =	ssyncadd.s32 $0xFFFFFB00  }
0x194: {  	s21 =	simm.s32 $0x4680;
	s3 =	sadd.s32 s6, s3;
	[bflag:$0x0] =	sbarrier.arrive $0xFFFF  }
0x195: {  	[tilespmem:s21], [sflag:$0x1] =	stream.linear.gather [spmem:s3], $0x50, $0x38;
	[tilespmem:$0x53C0] =	vst v63  }
0x196: {  	s8 =	simm.s32 $0x46D0;
	s22 =	sadd.s32 $0x500, s3  }
0x197: {  	[tilespmem:s8], [sflag:$0x1] =	stream.linear.gather [spmem:s22], $0x50, $0x38;
	[tilespmem:$0x53C0] =	vst v63  }
0x198: {  	s24 =	simm.s32 $0x4720;
	s23 =	sadd.s32 $0xA00, s3  }
0x199: {  	[tilespmem:s24], [sflag:$0x1] =	stream.linear.gather [spmem:s23], $0x50, $0x38;
	[tilespmem:$0x53C0] =	vst v63  }
0x19a: {  	s26 =	simm.s32 $0x4770;
	s25 =	sadd.s32 $0xF00, s3  }
0x19b: {  	[tilespmem:s26], [sflag:$0x1] =	stream.linear.gather [spmem:s25], $0x50, $0x38;
	[tilespmem:$0x53C0] =	vst v63  }
0x19c: {  	s29 =	simm.s32 $0x47C0;
	s28 =	sadd.s32 $0x1400, s3  }
0x19d: {  	[tilespmem:s29], [sflag:$0x1] =	stream.linear.gather [spmem:s28], $0x50, $0x38;
	[tilespmem:$0x53C0] =	vst v63  }
0x19e: {  	s31 =	simm.s32 $0x4810;
	s30 =	sadd.s32 $0x1900, s3  }
0x19f: {  	[tilespmem:s31], [sflag:$0x1] =	stream.linear.gather [spmem:s30], $0x50, $0x38;
	[tilespmem:$0x53C0] =	vst v63  }
0x1a0: {  	s10 =	simm.s32 $0x4860;
	s9 =	sadd.s32 $0x1E00, s3  }
0x1a1: {  	[tilespmem:s10], [sflag:$0x1] =	stream.linear.gather [spmem:s9], $0x50, $0x38;
	[tilespmem:$0x53C0] =	vst v63  }
0x1a2: {  	s12 =	simm.s32 $0x48B0;
	s11 =	sadd.s32 $0x2300, s3  }
0x1a3: {  	[tilespmem:s12], [sflag:$0x1] =	stream.linear.gather [spmem:s11], $0x50, $0x38;
	[tilespmem:$0x53C0] =	vst v63  }
0x1a4: {  	s14 =	simm.s32 $0x4900;
	s13 =	sadd.s32 $0x2800, s3  }
0x1a5: {  	[tilespmem:s14], [sflag:$0x1] =	stream.linear.gather [spmem:s13], $0x50, $0x38;
	[tilespmem:$0x53C0] =	vst v63  }
0x1a6: {  	s16 =	simm.s32 $0x4950;
	s15 =	sadd.s32 $0x2D00, s3  }
0x1a7: {  	[tilespmem:s16], [sflag:$0x1] =	stream.linear.gather [spmem:s15], $0x50, $0x38;
	[tilespmem:$0x53C0] =	vst v63  }
0x1a8: {  	s18 =	simm.s32 $0x49A0;
	s17 =	sadd.s32 $0x3200, s3  }
0x1a9: {  	[tilespmem:s18], [sflag:$0x1] =	stream.linear.gather [spmem:s17], $0x50, $0x38;
	[tilespmem:$0x53C0] =	vst v63  }
0x1aa: {  	s20 =	simm.s32 $0x49F0;
	s19 =	sadd.s32 $0x3700, s3  }
0x1ab: {  	[tilespmem:s20], [sflag:$0x1] =	stream.linear.gather [spmem:s19], $0x50, $0x38;
	[tilespmem:$0x53C0] =	vst v63  }
0x1ac: {  	s21 =	sadd.s32 $0x3C00, s3;
	s22 =	simm.s32 $0x4A40  }
0x1ad: {  	[tilespmem:s22], [sflag:$0x1] =	stream.linear.gather [spmem:s21], $0x50, $0x38;
	[tilespmem:$0x53C0] =	vst v63  }
0x1ae: {  	s23 =	sadd.s32 $0x4100, s3;
	s24 =	simm.s32 $0x4A90  }
0x1af: {  	[tilespmem:s24], [sflag:$0x1] =	stream.linear.gather [spmem:s23], $0x50, $0x38;
	[tilespmem:$0x53C0] =	vst v63  }
0x1b0: {  	s25 =	sadd.s32 $0x4600, s3;
	s26 =	simm.s32 $0x4AE0  }
0x1b1: {  	[tilespmem:s26], [sflag:$0x1] =	stream.linear.gather [spmem:s25], $0x50, $0x38;
	[tilespmem:$0x53C0] =	vst v63  }
0x1b2: {  	s3 =	sadd.s32 $0x4B00, s3;
	s28 =	simm.s32 $0x4B30;
	s29 =	simm.s32 $0x1  }
0x1b3: {  	[tilespmem:s28], [sflag:$0x1] =	stream.linear.gather [spmem:s3], $0x50, $0x38;
	[tilespmem:$0x53C0] =	vst v63  }
0x1b4: {  	_ =	swait.ge [sflag:s29], $0x50  }
0x1b5: {  	[sflag:s29] =	ssyncset.done $0x0  }
0x1b6: {  	[sflag:s29] =	ssyncadd.s32 $0xFFFFFFB0  }
0x1b7: {  	_ =	swait.ge [sflag:s29], $0x50  }
0x1b8: {  	[sflag:s29] =	ssyncset.done $0x0  }
0x1b9: {  	[sflag:s29] =	ssyncadd.s32 $0xFFFFFFB0  }
0x1ba: {  	_ =	swait.ge [sflag:s29], $0x50  }
0x1bb: {  	[sflag:s29] =	ssyncset.done $0x0  }
0x1bc: {  	[sflag:s29] =	ssyncadd.s32 $0xFFFFFFB0  }
0x1bd: {  	_ =	swait.ge [sflag:s29], $0x50  }
0x1be: {  	[sflag:s29] =	ssyncset.done $0x0  }
0x1bf: {  	[sflag:s29] =	ssyncadd.s32 $0xFFFFFFB0  }
0x1c0: {  	_ =	swait.ge [sflag:s29], $0x50  }
0x1c1: {  	[sflag:s29] =	ssyncset.done $0x0  }
0x1c2: {  	[sflag:s29] =	ssyncadd.s32 $0xFFFFFFB0  }
0x1c3: {  	_ =	swait.ge [sflag:s29], $0x50  }
0x1c4: {  	[sflag:s29] =	ssyncset.done $0x0  }
0x1c5: {  	[sflag:s29] =	ssyncadd.s32 $0xFFFFFFB0  }
0x1c6: {  	_ =	swait.ge [sflag:s29], $0x50  }
0x1c7: {  	[sflag:s29] =	ssyncset.done $0x0  }
0x1c8: {  	[sflag:s29] =	ssyncadd.s32 $0xFFFFFFB0  }
0x1c9: {  	_ =	swait.ge [sflag:s29], $0x50  }
0x1ca: {  	[sflag:s29] =	ssyncset.done $0x0  }
0x1cb: {  	[sflag:s29] =	ssyncadd.s32 $0xFFFFFFB0  }
0x1cc: {  	_ =	swait.ge [sflag:s29], $0x50  }
0x1cd: {  	[sflag:s29] =	ssyncset.done $0x0  }
0x1ce: {  	[sflag:s29] =	ssyncadd.s32 $0xFFFFFFB0  }
0x1cf: {  	_ =	swait.ge [sflag:s29], $0x50  }
0x1d0: {  	[sflag:s29] =	ssyncset.done $0x0  }
0x1d1: {  	[sflag:s29] =	ssyncadd.s32 $0xFFFFFFB0  }
0x1d2: {  	_ =	swait.ge [sflag:s29], $0x50  }
0x1d3: {  	[sflag:s29] =	ssyncset.done $0x0  }
0x1d4: {  	[sflag:s29] =	ssyncadd.s32 $0xFFFFFFB0  }
0x1d5: {  	_ =	swait.ge [sflag:s29], $0x50  }
0x1d6: {  	[sflag:s29] =	ssyncset.done $0x0  }
0x1d7: {  	[sflag:s29] =	ssyncadd.s32 $0xFFFFFFB0  }
0x1d8: {  	_ =	swait.ge [sflag:s29], $0x50  }
0x1d9: {  	[sflag:s29] =	ssyncset.done $0x0  }
0x1da: {  	[sflag:s29] =	ssyncadd.s32 $0xFFFFFFB0  }
0x1db: {  	_ =	swait.ge [sflag:s29], $0x50  }
0x1dc: {  	[sflag:s29] =	ssyncset.done $0x0  }
0x1dd: {  	[sflag:s29] =	ssyncadd.s32 $0xFFFFFFB0  }
0x1de: {  	_ =	swait.ge [sflag:s29], $0x50  }
0x1df: {  	[sflag:s29] =	ssyncset.done $0x0  }
0x1e0: {  	[sflag:s29] =	ssyncadd.s32 $0xFFFFFFB0  }
0x1e1: {  	_ =	swait.ge [sflag:s29], $0x50  }
0x1e2: {  	[sflag:s29] =	ssyncset.done $0x0  }
0x1e3: {  	[sflag:s29] =	ssyncadd.s32 $0xFFFFFFB0  }
0x1e4: {  	v38 =	vld [tilespmem:$0x4680]  }
0x1e5: {  	v39 =	vld [tilespmem:$0x46D0]  }
0x1e6: {  	v40 =	vld [tilespmem:$0x4720]  }
0x1e7: {  	v41 =	vld [tilespmem:$0x4770]  }
0x1e8: {  	v42 =	vld [tilespmem:$0x47C0]  }
0x1e9: {  	v43 =	vld [tilespmem:$0x4810]  }
0x1ea: {  	v44 =	vld [tilespmem:$0x4860]  }
0x1eb: {  	v45 =	vld [tilespmem:$0x48B0]  }
0x1ec: {  	v46 =	vld [tilespmem:$0x4900]  }
0x1ed: {  	v47 =	vld [tilespmem:$0x4950]  }
0x1ee: {  	v48 =	vld [tilespmem:$0x49A0]  }
0x1ef: {  	v49 =	vld [tilespmem:$0x49F0]  }
0x1f0: {  	v12 =	vld [tilespmem:$0x4A40]  }
0x1f1: {  	v13 =	vld [tilespmem:$0x4A90]  }
0x1f2: {  	v14 =	vld [tilespmem:$0x4AE0]  }
0x1f3: {  	v15 =	vld [tilespmem:$0x4B30]  }
0x1f4: {  	v16 =	vld [tilespmem:$0x4690]  }
0x1f5: {  	v17 =	vld [tilespmem:$0x46E0]  }
0x1f6: {  	v18 =	vld [tilespmem:$0x4730]  }
0x1f7: {  	v19 =	vld [tilespmem:$0x4780]  }
0x1f8: {  	v20 =	vld [tilespmem:$0x47D0]  }
0x1f9: {  	v21 =	vld [tilespmem:$0x4820]  }
0x1fa: {  	v22 =	vld [tilespmem:$0x4870]  }
0x1fb: {  	v23 =	vld [tilespmem:$0x48C0]  }
0x1fc: {  	v24 =	vld [tilespmem:$0x4910]  }
0x1fd: {  	v25 =	vld [tilespmem:$0x4960]  }
0x1fe: {  	v1 =	vld [tilespmem:$0x49B0]  }
0x1ff: {  	v26 =	vld [tilespmem:$0x4A00]  }
0x200: {  	v2 =	vld [tilespmem:$0x4A50]  }
0x201: {  	v27 =	vld [tilespmem:$0x4AA0]  }
0x202: {  	v3 =	vld [tilespmem:$0x4AF0]  }
0x203: {  	v28 =	vld [tilespmem:$0x4B40]  }
0x204: {  	v50 =	vld [tilespmem:$0x46A0]  }
0x205: {  	v29 =	vld [tilespmem:$0x46F0]  }
0x206: {  	v51 =	vld [tilespmem:$0x4740];
	v0 =	vadd.f32 v39, v38  }
0x207: {  	v30 =	vld [tilespmem:$0x4790]  }
0x208: {  	v52 =	vld [tilespmem:$0x47E0];
	v0 =	vadd.f32 v40, v0  }
0x209: {  	v31 =	vld [tilespmem:$0x4830]  }
0x20a: {  	v53 =	vld [tilespmem:$0x4880];
	v0 =	vadd.f32 v41, v0  }
0x20b: {  	v32 =	vld [tilespmem:$0x48D0]  }
0x20c: {  	v54 =	vld [tilespmem:$0x4920];
	v0 =	vadd.f32 v42, v0  }
0x20d: {  	v33 =	vld [tilespmem:$0x4970]  }
0x20e: {  	v55 =	vld [tilespmem:$0x49C0];
	v0 =	vadd.f32 v43, v0  }
0x20f: {  	v34 =	vld [tilespmem:$0x4A10]  }
0x210: {  	v10 =	vld [tilespmem:$0x4A60];
	v0 =	vadd.f32 v44, v0  }
0x211: {  	v35 =	vld [tilespmem:$0x4AB0]  }
0x212: {  	v11 =	vld [tilespmem:$0x4B00];
	v0 =	vadd.f32 v45, v0  }
0x213: {  	v36 =	vld [tilespmem:$0x4B50]  }
0x214: {  	v56 =	vld [tilespmem:$0x46B0];
	v0 =	vadd.f32 v46, v0  }
0x215: {  	v57 =	vld [tilespmem:$0x46C0];
	v16 =	vadd.f32 v17, v16  }
0x216: {  	v38 =	vld [tilespmem:$0x4710];
	v4 =	vadd.f32 v29, v50;
	v0 =	vadd.f32 v47, v0  }
0x217: {  	v37 =	vld [tilespmem:$0x4700];
	v16 =	vadd.f32 v18, v16  }
0x218: {  	v59 =	vld [tilespmem:$0x4760];
	v4 =	vadd.f32 v51, v4;
	v0 =	vadd.f32 v48, v0  }
0x219: {  	v58 =	vld [tilespmem:$0x4750];
	v16 =	vadd.f32 v19, v16  }
0x21a: {  	v61 =	vld [tilespmem:$0x47B0];
	v4 =	vadd.f32 v30, v4;
	v0 =	vadd.f32 v49, v0  }
0x21b: {  	v60 =	vld [tilespmem:$0x47A0];
	v62 =	vadd.f32 v38, v57;
	v16 =	vadd.f32 v20, v16  }
0x21c: {  	v29 =	vld [tilespmem:$0x4800];
	v0 =	vadd.f32 v12, v0;
	v12 =	vadd.f32 v37, v56  }
0x21d: {  	v63 =	vld [tilespmem:$0x47F0];
	v4 =	vadd.f32 v52, v4;
	v5 =	vadd.f32 v59, v62  }
0x21e: {  	v16 =	vadd.f32 v21, v16;
	v37 =	vld [tilespmem:$0x4850];
	v12 =	vadd.f32 v58, v12  }
0x21f: {  	v30 =	vld [tilespmem:$0x4840];
	v4 =	vadd.f32 v31, v4;
	v5 =	vadd.f32 v61, v5  }
0x220: {  	v39 =	vld [tilespmem:$0x48A0];
	v16 =	vadd.f32 v22, v16;
	v12 =	vadd.f32 v60, v12  }
0x221: {  	v38 =	vld [tilespmem:$0x4890];
	v4 =	vadd.f32 v53, v4;
	v5 =	vadd.f32 v29, v5  }
0x222: {  	v41 =	vld [tilespmem:$0x48F0];
	v43 =	vadd.f32 v23, v16;
	v12 =	vadd.f32 v63, v12  }
0x223: {  	v40 =	vld [tilespmem:$0x48E0];
	v0 =	vadd.f32 v13, v0;
	v5 =	vadd.f32 v37, v5  }
0x224: {  	v44 =	vld [tilespmem:$0x4940];
	v4 =	vadd.f32 v32, v4;
	v12 =	vadd.f32 v30, v12  }
0x225: {  	v42 =	vld [tilespmem:$0x4930];
	v0 =	vadd.f32 v14, v0;
	v5 =	vadd.f32 v39, v5  }
0x226: {  	v46 =	vld [tilespmem:$0x4990];
	v4 =	vadd.f32 v54, v4;
	v6 =	vadd.f32 v38, v12  }
0x227: {  	v45 =	vld [tilespmem:$0x4980];
	v0 =	vadd.f32 v15, v0;
	v5 =	vadd.f32 v41, v5  }
0x228: {  	v48 =	vld [tilespmem:$0x49E0];
	v15 =	vadd.f32 v24, v43;
	v6 =	vadd.f32 v40, v6  }
0x229: {  	v47 =	vld [tilespmem:$0x49D0];
	v4 =	vadd.f32 v33, v4;
	v5 =	vadd.f32 v44, v5  }
0x22a: {  	v50 =	vld [tilespmem:$0x4A30];
	v15 =	vadd.f32 v25, v15;
	v6 =	vadd.f32 v42, v6  }
0x22b: {  	v4 =	vadd.f32 v55, v4;
	v49 =	vld [tilespmem:$0x4A20];
	v5 =	vadd.f32 v46, v5  }
0x22c: {  	v52 =	vld [tilespmem:$0x4A80];
	v1 =	vadd.f32 v1, v15;
	v6 =	vadd.f32 v45, v6  }
0x22d: {  	v51 =	vld [tilespmem:$0x4A70];
	v4 =	vadd.f32 v34, v4;
	v5 =	vadd.f32 v48, v5  }
0x22e: {  	v55 =	vld [tilespmem:$0x4AD0];
	v1 =	vadd.f32 v26, v1;
	v6 =	vadd.f32 v47, v6  }
0x22f: {  	v53 =	vld [tilespmem:$0x4AC0];
	v4 =	vadd.f32 v10, v4;
	v5 =	vadd.f32 v50, v5  }
0x230: {  	v57 =	vld [tilespmem:$0x4B20];
	v1 =	vadd.f32 v2, v1;
	v54 =	vadd.f32 v49, v6  }
0x231: {  	v56 =	vld [tilespmem:$0x4B10];
	v4 =	vadd.f32 v35, v4;
	v5 =	vadd.f32 v52, v5  }
0x232: {  	v59 =	vld [tilespmem:$0x4B70];
	v1 =	vadd.f32 v27, v1;
	v2 =	vadd.f32 v51, v54  }
0x233: {  	v58 =	vld [tilespmem:$0x4B60];
	v4 =	vadd.f32 v11, v4;
	v5 =	vadd.f32 v55, v5  }
0x234: {  	v1 =	vadd.f32 v3, v1;
	v2 =	vadd.f32 v53, v2  }
0x235: {  	v60 =	vadd.f32 v36, v4;
	v61 =	vadd.f32 v57, v5  }
0x236: {  	[tilespmem:$0x2C00] =	vst v0;
	v1 =	vadd.f32 v28, v1;
	v2 =	vadd.f32 v56, v2  }
0x237: {  	[tilespmem:$0x2C20] =	vst v60;
	v63 =	vadd.f32 v59, v61  }
0x238: {  	[tilespmem:$0x2C10] =	vst v1;
	v62 =	vadd.f32 v58, v2  }
0x239: {  	s30 =	sshrl.u32 s6, $0x3;
	[tilespmem:$0x2C40] =	vst v63  }
0x23a: {  	s31 =	simm.s32 $0x0;
	s2 =	sadd.s32 s2, s30;
	[tilespmem:$0x2C30] =	vst v62  }
0x23b: {  	[hbm4b:s2+s31] =	stream.linear.scatter [tilespmem:s5], [sflag:$0x2], $0x50, $0x38;
	[tilespmem:$0x53C0] =	vst v63  }
0x23c: {  	_ =	swait.ge [sflag:s4], $0x50  }
0x23d: {  	[sflag:s4] =	ssyncset.done $0x0  }
0x23e: {  	[sflag:s4] =	ssyncadd.s32 $0xFFFFFFB0  }
0x23f: {  	_ =	sfence.sel $0x180000  }
0x240: {  	[bflag:$0x0] =	sbarrier.arrive $0xFFFF  }
0x241: {  	p0 =	sne.s32 s1, $0x0;
	_ =	strace $0x90000047  }
0x242: {  	s0 =	sadd.s32 @!p0 $0x100000, s0;
	[bflag:$0x2] =	sbarrier.arrive $0xFFFF  }
0x243: {  	[sflag:s0] =	ssyncadd.tile.s32 @!p0 $0x1;
	_ =	shalt  }
.Lfunc_end2:
_tile_overlayer_lowered:
.L_overlay_start_2:
0x244: {  	(tag) =	ssettag $0x2  }
0x245: {  	s0 =	rddreg [dreg:$0x0];
	s2 =	stileid.u32  }
0x246: {  	s1 =	rddreg [dreg:$0x1];
	p0 =	sne.s32 s2, $0x0  }
0x247: {  	s3 =	rddreg [dreg:$0x2];
	[bflag:$0x3] =	sbarrier.arrive $0xFFFF;
	s2 =	simm.s32 @!p0 $0x1C02  }
0x248: {  	[timem:s3], [sflag:s2] =	dma.local @!p0 [hbm:s0], s1  }
0x249: {  	s0 =	simm.s32 @!p0 $0x2  }
0x24a: {  	_ =	swait.ge @!p0 [sflag:s0], s1  }
0x24b: {  	s1 =	ssub.s32 @!p0 $0x0, s1;
	[sflag:s0] =	ssyncset.done @!p0 $0x0  }
0x24c: {  	[sflag:s0] =	ssyncadd.s32 @!p0 s1  }
0x24d: {  	[bflag:$0x3] =	sbarrier.arrive $0xFFFF  }
0x24e: {  	_ =	shalt  }

</sc_bundles>
